<compile_context>
chip_gen: v7x
topology: tpu7x:2x2x1
jax: 0.10.2.dev20260603
libtpu: 0.0.44.dev20260713+nightly
codegen_flags: <defaults>
</compile_context>

<pallas_src>
import functools

import jax
import jax.numpy as jnp
from jax import lax
from jax.experimental import pallas as pl
from jax.experimental.pallas import tpu as pltpu
from jax.experimental.pallas import tpu_sc as plsc

N = 10000
E = 320000
D = 128
NP = 10240
NC = 2
NS = 16
NW = NC * NS
EPW = E // NW
C = 80
NCHUNK = EPW // C
RPW = NP // NS


def _make_sc_segment_sum(with_cnt):
    mesh = plsc.VectorSubcoreMesh(core_axis_name="c", subcore_axis_name="s")

    out_type = [jax.ShapeDtypeStruct((NC, NP, D), jnp.float32)]
    scratch = [
        pltpu.VMEM_SHARED((NP, D), jnp.float32),
        pltpu.VMEM((EPW,), jnp.int32),
        pltpu.VMEM((NCHUNK, C), jnp.int32),
    ]
    scratch += [pltpu.VMEM((C, D), jnp.float32)] * 2
    scratch += [pltpu.SemaphoreType.DMA] * 4
    if with_cnt:
        out_type.append(jax.ShapeDtypeStruct((NC, NP), jnp.float32))
        scratch += [
            pltpu.VMEM_SHARED((NP,), jnp.float32),
            pltpu.VMEM((RPW,), jnp.float32),
            pltpu.VMEM((C,), jnp.float32),
            pltpu.SemaphoreType.DMA,
        ]

    @functools.partial(pl.kernel, out_type=tuple(out_type), mesh=mesh,
                       scratch_types=scratch)
    def k(table_h, src_h, dst_h, agg_h, *rest):
        if with_cnt:
            cnt_h = rest[0]
            rest = rest[1:]
        aggs, sidx, didx = rest[0], rest[1], rest[2]
        rows = rest[3:5]
        gsem = rest[5:7]
        ssem = rest[7:9]
        if with_cnt:
            cnts, zvec, ones, csem = rest[9:]
        cid = lax.axis_index("c")
        sid = lax.axis_index("s")
        wid = sid * NC + cid
        r0 = pl.multiple_of(sid * RPW, RPW)

        pltpu.sync_copy(src_h.at[wid], sidx)

        def _zrow(i, _):
            def _zcol(j, _):
                rows[0][i, pl.ds(j * 16, 16)] = jnp.zeros((16,), jnp.float32)
                return 0
            return lax.fori_loop(0, D // 16, _zcol, 0)
        lax.fori_loop(0, C, _zrow, 0)

        def _zs(kk, _):
            pltpu.sync_copy(rows[0], aggs.at[pl.ds(r0 + kk * C, C)])
            return 0
        lax.fori_loop(0, RPW // C, _zs, 0)

        if with_cnt:
            def _zv(i, _):
                zvec[pl.ds(i * 16, 16)] = jnp.zeros((16,), jnp.float32)
                return 0
            lax.fori_loop(0, RPW // 16, _zv, 0)

            def _ov(i, _):
                ones[pl.ds(i * 16, 16)] = jnp.ones((16,), jnp.float32)
                return 0
            lax.fori_loop(0, C // 16, _ov, 0)
            pltpu.sync_copy(zvec, cnts.at[pl.ds(r0, RPW)])

        plsc.subcore_barrier()

        pltpu.sync_copy(dst_h.at[wid], didx)

        def _gather(kk, b):
            pltpu.async_copy(table_h.at[sidx.at[pl.ds(kk * C, C)]],
                             rows[b], gsem[b])

        def _wait_gather(b):
            pltpu.make_async_copy(table_h.at[sidx.at[pl.ds(0, C)]], rows[b],
                                  gsem[b]).wait()

        def _scatter(kk, b):
            pltpu.async_copy(rows[b], aggs.at[didx.at[kk]], ssem[b], add=True)
            if with_cnt:
                pltpu.async_copy(ones, cnts.at[didx.at[kk]], csem, add=True)

        def _wait_scatter(b):
            pltpu.make_async_copy(rows[0], aggs.at[didx.at[0]],
                                  ssem[b]).wait()

        _gather(0, 0)

        def _pair(g, _):
            k0 = g * 2
            @pl.when(g > 0)
            def _():
                _wait_scatter(1)
            _gather(k0 + 1, 1)
            _wait_gather(0)
            _scatter(k0, 0)
            _wait_scatter(0)
            _gather(k0 + 2, 0)
            _wait_gather(1)
            _scatter(k0 + 1, 1)
            return 0
        lax.fori_loop(0, NCHUNK // 2, _pair, 0)

        _wait_gather(0)
        _scatter(NCHUNK - 1, 0)
        _wait_scatter(0)
        _wait_scatter(1)
        if with_cnt:
            def _drain(kk, _):
                pltpu.make_async_copy(ones, cnts.at[didx.at[0]], csem).wait()
                return 0
            lax.fori_loop(0, NCHUNK, _drain, 0)

        plsc.subcore_barrier()

        sl = pl.ds(r0, RPW)
        pltpu.sync_copy(aggs.at[sl], agg_h.at[cid].at[sl])
        if with_cnt:
            pltpu.sync_copy(cnts.at[sl], zvec)
            pltpu.sync_copy(zvec, cnt_h.at[cid].at[sl])

    return k


_sc_seg_cnt = _make_sc_segment_sum(True)
_sc_seg = _make_sc_segment_sum(False)


_BLK = 1024
_GRID = NP // _BLK


def _tc_self(h, wr):
    def body(h_ref, wr_ref, o_ref):
        o_ref[...] = lax.dot_general(h_ref[...], wr_ref[...],
                                     (((1,), (1,)), ((), ())),
                                     preferred_element_type=jnp.float32)

    return pl.pallas_call(
        body,
        grid=(_GRID,),
        in_specs=[
            pl.BlockSpec((_BLK, D), lambda i: (i, 0)),
            pl.BlockSpec((D, D), lambda i: (0, 0)),
        ],
        out_specs=pl.BlockSpec((_BLK, D), lambda i: (i, 0)),
        out_shape=jax.ShapeDtypeStruct((NP, D), jnp.float32),
    )(h, wr)


def _tc_layer1(aggp, cntp, xr, w1l, b1l):
    def body(agg_ref, cnt_ref, xr_ref, wl_ref, bl_ref, o_ref):
        agg = agg_ref[0] + agg_ref[1]
        cnt = cnt_ref[0] + cnt_ref[1]
        inv = 1.0 / jnp.maximum(cnt, 1.0)
        mean = agg * inv[:, None]
        h = lax.dot_general(mean, wl_ref[...], (((1,), (1,)), ((), ())),
                            preferred_element_type=jnp.float32)
        h = h + bl_ref[...] + xr_ref[...]
        o_ref[...] = jnp.maximum(h, 0.0)

    return pl.pallas_call(
        body,
        grid=(_GRID,),
        in_specs=[
            pl.BlockSpec((NC, _BLK, D), lambda i: (0, i, 0)),
            pl.BlockSpec((NC, _BLK), lambda i: (0, i)),
            pl.BlockSpec((_BLK, D), lambda i: (i, 0)),
            pl.BlockSpec((D, D), lambda i: (0, 0)),
            pl.BlockSpec((1, D), lambda i: (0, 0)),
        ],
        out_specs=pl.BlockSpec((_BLK, D), lambda i: (i, 0)),
        out_shape=jax.ShapeDtypeStruct((NP, D), jnp.float32),
    )(aggp, cntp, xr, w1l, b1l)


def _tc_layer2(aggp, cntp, h1r, w2l, b2l, wo1, bo1, wo2p, bo2p):
    def body(agg_ref, cnt_ref, h1r_ref, wl_ref, bl_ref, wo1_ref,
             bo1_ref, wo2_ref, bo2_ref, o_ref):
        agg = agg_ref[0] + agg_ref[1]
        cnt = cnt_ref[0] + cnt_ref[1]
        inv = 1.0 / jnp.maximum(cnt, 1.0)
        mean = agg * inv[:, None]
        h = lax.dot_general(mean, wl_ref[...], (((1,), (1,)), ((), ())),
                            preferred_element_type=jnp.float32)
        h = h + bl_ref[...] + h1r_ref[...]
        h = jnp.maximum(h, 0.0)
        h = lax.dot_general(h, wo1_ref[...], (((1,), (1,)), ((), ())),
                            preferred_element_type=jnp.float32) + bo1_ref[...]
        h = jnp.maximum(h, 0.0)
        o_ref[...] = lax.dot_general(h, wo2_ref[...], (((1,), (1,)), ((), ())),
                                     preferred_element_type=jnp.float32) + bo2_ref[...]

    return pl.pallas_call(
        body,
        grid=(_GRID,),
        in_specs=[
            pl.BlockSpec((NC, _BLK, D), lambda i: (0, i, 0)),
            pl.BlockSpec((NC, _BLK), lambda i: (0, i)),
            pl.BlockSpec((_BLK, D), lambda i: (i, 0)),
            pl.BlockSpec((D, D), lambda i: (0, 0)),
            pl.BlockSpec((1, D), lambda i: (0, 0)),
            pl.BlockSpec((D, D), lambda i: (0, 0)),
            pl.BlockSpec((1, D), lambda i: (0, 0)),
            pl.BlockSpec((D, D), lambda i: (0, 0)),
            pl.BlockSpec((1, D), lambda i: (0, 0)),
        ],
        out_specs=pl.BlockSpec((_BLK, D), lambda i: (i, 0)),
        out_shape=jax.ShapeDtypeStruct((NP, D), jnp.float32),
    )(aggp, cntp, h1r, w2l, b2l, wo1, bo1, wo2p, bo2p)


def kernel(x, edge_index, W1l, b1l, W1r, W2l, b2l, W2r, Wo1, bo1, Wo2, bo2):
    src2 = edge_index[0].astype(jnp.int32).reshape(NW, EPW)
    dst3 = edge_index[1].astype(jnp.int32).reshape(NW, NCHUNK, C)
    xp = jnp.pad(x, ((0, NP - N), (0, 0)))

    wo2p = jnp.zeros((D, D), jnp.float32).at[:2].set(Wo2)
    bo2p = jnp.zeros((1, D), jnp.float32).at[0, :2].set(bo2)

    xr = _tc_self(xp, W1r)
    aggp1, cntp = _sc_seg_cnt(xp, src2, dst3)
    h1 = _tc_layer1(aggp1, cntp, xr, W1l, b1l.reshape(1, D))
    h1r = _tc_self(h1, W2r)
    res2 = _sc_seg(h1, src2, dst3)
    aggp2 = res2[0] if isinstance(res2, (tuple, list)) else res2
    out = _tc_layer2(aggp2, cntp, h1r, W2l, b2l.reshape(1, D),
                     Wo1, bo1.reshape(1, D), wo2p, bo2p)
    return out[:N, :2]

# --- scband reference (transcript-rebuilt; emitter-appended) ---
"""Pipeline reference for scband-surface-net-62637803044905 (READ-ONLY COPY).

The authoritative reference and input builder live on the scoring server;
editing this copy changes nothing except your own understanding.
"""

import jax, jax.numpy as jnp
import numpy as np

N = 10000
E = 320000
D = 128

def setup_inputs(seed: int = 0) -> dict:
    key = jax.random.key(seed)
    ks = jax.random.split(key, 13)
    s = 1.0 / np.sqrt(D)
    inp = {}
    inp["x"] = jax.random.normal(ks[0], (N, D), dtype=jnp.float32)
    inp["edge_index"] = jax.random.randint(ks[1], (2, E), 0, N, dtype=jnp.int64)
    # SAGEConv layer 1 (128 -> 128): lin_l (with bias), lin_r (no bias)
    inp["W1l"] = jax.random.normal(ks[2], (D, D), dtype=jnp.float32) * s
    inp["b1l"] = jnp.zeros((D,), dtype=jnp.float32)
    inp["W1r"] = jax.random.normal(ks[3], (D, D), dtype=jnp.float32) * s
    # SAGEConv layer 2 (128 -> 128)
    inp["W2l"] = jax.random.normal(ks[4], (D, D), dtype=jnp.float32) * s
    inp["b2l"] = jnp.zeros((D,), dtype=jnp.float32)
    inp["W2r"] = jax.random.normal(ks[5], (D, D), dtype=jnp.float32) * s
    # out_net: ReLU -> Linear(128, 128) -> ReLU -> Linear(128, 2)
    inp["Wo1"] = jax.random.normal(ks[6], (128, D), dtype=jnp.float32) * s
    inp["bo1"] = jnp.zeros((128,), dtype=jnp.float32)
    inp["Wo2"] = jax.random.normal(ks[7], (2, 128), dtype=jnp.float32) * (1.0 / np.sqrt(128))
    inp["bo2"] = jnp.zeros((2,), dtype=jnp.float32)
    return inp

def _sage_conv(x, edge_index, Wl, bl, Wr):
    # PyG convention: edge_index[0] = source j, edge_index[1] = target i
    src = edge_index[0]
    dst = edge_index[1]
    msgs = jnp.take(x, src, axis=0)                      # gather x_j
    agg = jax.ops.segment_sum(msgs, dst, num_segments=N)  # scatter-add
    cnt = jax.ops.segment_sum(jnp.ones((msgs.shape[0],), dtype=x.dtype), dst, num_segments=N)
    mean = agg / jnp.maximum(cnt, 1.0)[:, None]           # mean aggregation
    return mean @ Wl.T + bl + x @ Wr.T

def reference(x, edge_index, W1l, b1l, W1r, W2l, b2l, W2r, Wo1, bo1, Wo2, bo2):
    # SurfaceNet.inference_layer path: full-graph multi-layer GraphSAGE + out_net
    h = _sage_conv(x, edge_index, W1l, b1l, W1r)
    h = jax.nn.relu(h)
    h = _sage_conv(h, edge_index, W2l, b2l, W2r)
    # out_net: ReLU -> Linear -> ReLU -> Linear
    h = jax.nn.relu(h)
    h = h @ Wo1.T + bo1
    h = jax.nn.relu(h)
    h = h @ Wo2.T + bo2
    return h

if __name__ == "__main__":
    import jax
    _d = setup_inputs()
    print(jax.jit(kernel)(*tuple(_d.values())))

</pallas_src>

<mosaic_0001>
#map = affine_map<(d0, d1) -> (0, 0)>
#map1 = affine_map<(d0, d1) -> (0, 0, 0)>
module attributes {stable_mosaic.version = 14 : i64} {
  func.func @k(%arg0: i32, %arg1: i32, %arg2: memref<10240x128xf32, #tpu.memory_space<hbm>>, %arg3: memref<32x10000xi32, #tpu.memory_space<hbm>>, %arg4: memref<32x125x80xi32, #tpu.memory_space<hbm>>, %arg5: memref<2x10240x128xf32, #tpu.memory_space<hbm>>, %arg6: memref<10240x128xf32, #tpu.memory_space<vmem_shared>>, %arg7: memref<10000xi32, #tpu.memory_space<vmem>>, %arg8: memref<125x80xi32, #tpu.memory_space<vmem>>, %arg9: memref<80x128xf32, #tpu.memory_space<vmem>>, %arg10: memref<80x128xf32, #tpu.memory_space<vmem>>, %arg11: memref<!tpu.dma_semaphore, #tpu.memory_space<semaphore_mem>>, %arg12: memref<!tpu.dma_semaphore, #tpu.memory_space<semaphore_mem>>, %arg13: memref<!tpu.dma_semaphore, #tpu.memory_space<semaphore_mem>>, %arg14: memref<!tpu.dma_semaphore, #tpu.memory_space<semaphore_mem>>) attributes {dimension_semantics = [#tpu.dimension_semantics<core_parallel>, #tpu.dimension_semantics<subcore_parallel>], iteration_bounds = array<i64: 2, 16>, scalar_prefetch = 0 : i64, scratch_operands = 9 : i64, tpu.core_type = #tpu.core_type<sc_vector_subcore>, window_params = [{transform_indices = #map}, {transform_indices = #map}, {transform_indices = #map1}, {transform_indices = #map1}]} {
    %mul3A = arith.constant 2 : i32
    %mul3A_0 = arith.muli %arg1, %mul3A : i32
    %add3A = arith.addi %mul3A_0, %arg0 : i32
    %mul3A_1 = arith.constant 640 : i32
    %mul3A_2 = arith.muli %arg1, %mul3A_1 : i32
    %multiple_of3A = tpu.assume_multiple %mul3A_2, 640 : i32
    "tpu.region"() ({
      %run_scoped3A = tpu.sem_alloc : memref<!tpu.dma_semaphore, #tpu.memory_space<semaphore_mem>>
      %dma_start3A_53 = arith.constant 0 : i32
      %dma_start3A_54 = tpu.memref_slice %arg3[%add3A, %dma_start3A_53] : memref<32x10000xi32, #tpu.memory_space<hbm>> -> memref<1x10000xi32, #tpu.memory_space<hbm>>
      %dma_start3A_55 = tpu.memref_squeeze %dma_start3A_54 : memref<1x10000xi32, #tpu.memory_space<hbm>> -> memref<10000xi32, #tpu.memory_space<hbm>>
      %dma_start3A_56 = arith.constant 0 : i32
      %dma_start3A_57 = tpu.memref_slice %arg3[%add3A, %dma_start3A_56] : memref<32x10000xi32, #tpu.memory_space<hbm>> -> memref<1x10000xi32, #tpu.memory_space<hbm>>
      %dma_start3A_58 = tpu.memref_squeeze %dma_start3A_57 : memref<1x10000xi32, #tpu.memory_space<hbm>> -> memref<10000xi32, #tpu.memory_space<hbm>>
      tpu.enqueue_dma source(%dma_start3A_58 : memref<10000xi32, #tpu.memory_space<hbm>>) target(%arg7 : memref<10000xi32, #tpu.memory_space<vmem>>) target_semaphore(%run_scoped3A : memref<!tpu.dma_semaphore, #tpu.memory_space<semaphore_mem>>)
      %dma_wait3A_59 = arith.constant 0 : i32
      %dma_wait3A_60 = tpu.memref_slice %arg3[%add3A, %dma_wait3A_59] : memref<32x10000xi32, #tpu.memory_space<hbm>> -> memref<1x10000xi32, #tpu.memory_space<hbm>>
      %dma_wait3A_61 = tpu.memref_squeeze %dma_wait3A_60 : memref<1x10000xi32, #tpu.memory_space<hbm>> -> memref<10000xi32, #tpu.memory_space<hbm>>
      %dma_wait3A_62 = arith.constant 0 : i32
      %dma_wait3A_63 = tpu.memref_slice %arg3[%add3A, %dma_wait3A_62] : memref<32x10000xi32, #tpu.memory_space<hbm>> -> memref<1x10000xi32, #tpu.memory_space<hbm>>
      %dma_wait3A_64 = tpu.memref_squeeze %dma_wait3A_63 : memref<1x10000xi32, #tpu.memory_space<hbm>> -> memref<10000xi32, #tpu.memory_space<hbm>>
      tpu.wait_dma2 semaphore(%run_scoped3A : memref<!tpu.dma_semaphore, #tpu.memory_space<semaphore_mem>>) src(%dma_wait3A_64 : memref<10000xi32, #tpu.memory_space<hbm>>) dst(%arg7 : memref<10000xi32, #tpu.memory_space<vmem>>)
      tpu.yield
    }) : () -> ()
    %scan3A = arith.constant 0 : i32
    %scan3A_3 = arith.constant 0 : i32
    %scan3A_4 = arith.constant 80 : i32
    %scan3A_5 = arith.addi %scan3A_3, %scan3A_4 : i32
    %scan3A_6 = arith.constant 1 : i32
    %scan3A_7 = scf.for %scan3A_53 = %scan3A_3 to %scan3A_5 step %scan3A_6 iter_args(%scan3A_54 = %scan3A) -> (i32)  : i32 {
      %scan3A_55 = arith.constant 0 : i32
      %scan3A_56 = arith.constant 0 : i32
      %scan3A_57 = arith.constant 8 : i32
      %scan3A_58 = arith.addi %scan3A_56, %scan3A_57 : i32
      %scan3A_59 = arith.constant 1 : i32
      %scan3A_60 = scf.for %scan3A_62 = %scan3A_56 to %scan3A_58 step %scan3A_59 iter_args(%scan3A_63 = %scan3A_55) -> (i32)  : i32 {
        %broadcast_in_dim3A = arith.constant 0.000000e+00 : f32
        %broadcast_in_dim3A_64 = vector.broadcast %broadcast_in_dim3A : f32 to vector<16xf32>
        %mul3A_65 = arith.constant 16 : i32
        %mul3A_66 = arith.muli %scan3A_62, %mul3A_65 : i32
        %swap3A = arith.index_cast %scan3A_53 : i32 to index
        %swap3A_67 = arith.index_cast %mul3A_66 : i32 to index
        %swap3A_68 = tpu.vector_load %arg9[%swap3A, %swap3A_67] {strides = array<i32>} : memref<80x128xf32, #tpu.memory_space<vmem>>, vector<1x16xf32>,
        %swap3A_69 = vector.shape_cast %swap3A_68 : vector<1x16xf32> to vector<16xf32>
        %swap3A_70 = vector.shape_cast %broadcast_in_dim3A_64 : vector<16xf32> to vector<1x16xf32>
        tpu.vector_store %arg9[%swap3A, %swap3A_67], %swap3A_70 {strides = array<i32>} : memref<80x128xf32, #tpu.memory_space<vmem>>, vector<1x16xf32>,
        %scan3A_71 = arith.constant 0 : i32
        scf.yield %scan3A_71 : i32
      }
      %scan3A_61 = arith.constant 8 : i32
      scf.yield %scan3A_60 : i32
    }
    %scan3A_8 = arith.constant 80 : i32
    %scan3A_9 = arith.constant 0 : i32
    %scan3A_10 = arith.constant 0 : i32
    %scan3A_11 = arith.constant 8 : i32
    %scan3A_12 = arith.addi %scan3A_10, %scan3A_11 : i32
    %scan3A_13 = arith.constant 1 : i32
    %scan3A_14 = scf.for %scan3A_53 = %scan3A_10 to %scan3A_12 step %scan3A_13 iter_args(%scan3A_54 = %scan3A_9) -> (i32)  : i32 {
      %mul3A_55 = arith.constant 80 : i32
      %mul3A_56 = arith.muli %scan3A_53, %mul3A_55 : i32
      %add3A_57 = arith.addi %multiple_of3A, %mul3A_56 : i32
      "tpu.region"() ({
        %run_scoped3A = tpu.sem_alloc : memref<!tpu.dma_semaphore, #tpu.memory_space<semaphore_mem>>
        %dma_start3A_59 = arith.constant 0 : i32
        %dma_start3A_60 = tpu.memref_slice %arg6[%add3A_57, %dma_start3A_59] : memref<10240x128xf32, #tpu.memory_space<vmem_shared>> -> memref<80x128xf32, #tpu.memory_space<vmem_shared>>
        %dma_start3A_61 = arith.constant 0 : i32
        %dma_start3A_62 = tpu.memref_slice %arg6[%add3A_57, %dma_start3A_61] : memref<10240x128xf32, #tpu.memory_space<vmem_shared>> -> memref<80x128xf32, #tpu.memory_space<vmem_shared>>
        tpu.enqueue_dma source(%arg9 : memref<80x128xf32, #tpu.memory_space<vmem>>) target(%dma_start3A_62 : memref<80x128xf32, #tpu.memory_space<vmem_shared>>) target_semaphore(%run_scoped3A : memref<!tpu.dma_semaphore, #tpu.memory_space<semaphore_mem>>)
        %dma_wait3A_63 = arith.constant 0 : i32
        %dma_wait3A_64 = tpu.memref_slice %arg6[%add3A_57, %dma_wait3A_63] : memref<10240x128xf32, #tpu.memory_space<vmem_shared>> -> memref<80x128xf32, #tpu.memory_space<vmem_shared>>
        %dma_wait3A_65 = arith.constant 0 : i32
        %dma_wait3A_66 = tpu.memref_slice %arg6[%add3A_57, %dma_wait3A_65] : memref<10240x128xf32, #tpu.memory_space<vmem_shared>> -> memref<80x128xf32, #tpu.memory_space<vmem_shared>>
        tpu.wait_dma2 semaphore(%run_scoped3A : memref<!tpu.dma_semaphore, #tpu.memory_space<semaphore_mem>>) src(%arg9 : memref<80x128xf32, #tpu.memory_space<vmem>>) dst(%dma_wait3A_66 : memref<80x128xf32, #tpu.memory_space<vmem_shared>>)
        tpu.yield
      }) : () -> ()
      %scan3A_58 = arith.constant 0 : i32
      scf.yield %scan3A_58 : i32
    }
    %scan3A_15 = arith.constant 8 : i32
    %barrier3A = arith.constant 0 : index
    tpu.barrier barrier_id(%barrier3A)
    "tpu.region"() ({
      %run_scoped3A = tpu.sem_alloc : memref<!tpu.dma_semaphore, #tpu.memory_space<semaphore_mem>>
      %dma_start3A_53 = arith.constant 0 : i32
      %dma_start3A_54 = arith.constant 0 : i32
      %dma_start3A_55 = tpu.memref_slice %arg4[%add3A, %dma_start3A_53, %dma_start3A_54] : memref<32x125x80xi32, #tpu.memory_space<hbm>> -> memref<1x125x80xi32, #tpu.memory_space<hbm>>
      %dma_start3A_56 = tpu.memref_squeeze %dma_start3A_55 : memref<1x125x80xi32, #tpu.memory_space<hbm>> -> memref<125x80xi32, #tpu.memory_space<hbm>>
      %dma_start3A_57 = arith.constant 0 : i32
      %dma_start3A_58 = arith.constant 0 : i32
      %dma_start3A_59 = tpu.memref_slice %arg4[%add3A, %dma_start3A_57, %dma_start3A_58] : memref<32x125x80xi32, #tpu.memory_space<hbm>> -> memref<1x125x80xi32, #tpu.memory_space<hbm>>
      %dma_start3A_60 = tpu.memref_squeeze %dma_start3A_59 : memref<1x125x80xi32, #tpu.memory_space<hbm>> -> memref<125x80xi32, #tpu.memory_space<hbm>>
      tpu.enqueue_dma source(%dma_start3A_60 : memref<125x80xi32, #tpu.memory_space<hbm>>) target(%arg8 : memref<125x80xi32, #tpu.memory_space<vmem>>) target_semaphore(%run_scoped3A : memref<!tpu.dma_semaphore, #tpu.memory_space<semaphore_mem>>)
      %dma_wait3A_61 = arith.constant 0 : i32
      %dma_wait3A_62 = arith.constant 0 : i32
      %dma_wait3A_63 = tpu.memref_slice %arg4[%add3A, %dma_wait3A_61, %dma_wait3A_62] : memref<32x125x80xi32, #tpu.memory_space<hbm>> -> memref<1x125x80xi32, #tpu.memory_space<hbm>>
      %dma_wait3A_64 = tpu.memref_squeeze %dma_wait3A_63 : memref<1x125x80xi32, #tpu.memory_space<hbm>> -> memref<125x80xi32, #tpu.memory_space<hbm>>
      %dma_wait3A_65 = arith.constant 0 : i32
      %dma_wait3A_66 = arith.constant 0 : i32
      %dma_wait3A_67 = tpu.memref_slice %arg4[%add3A, %dma_wait3A_65, %dma_wait3A_66] : memref<32x125x80xi32, #tpu.memory_space<hbm>> -> memref<1x125x80xi32, #tpu.memory_space<hbm>>
      %dma_wait3A_68 = tpu.memref_squeeze %dma_wait3A_67 : memref<1x125x80xi32, #tpu.memory_space<hbm>> -> memref<125x80xi32, #tpu.memory_space<hbm>>
      tpu.wait_dma2 semaphore(%run_scoped3A : memref<!tpu.dma_semaphore, #tpu.memory_space<semaphore_mem>>) src(%dma_wait3A_68 : memref<125x80xi32, #tpu.memory_space<hbm>>) dst(%arg8 : memref<125x80xi32, #tpu.memory_space<vmem>>)
      tpu.yield
    }) : () -> ()
    %dma_start3A = arith.constant 0 : i32
    %dma_start3A_16 = tpu.memref_slice %arg7[%dma_start3A] : memref<10000xi32, #tpu.memory_space<vmem>> -> memref<80xi32, #tpu.memory_space<vmem>>
    %dma_start3A_17 = arith.constant 0 : i32
    %dma_start3A_18 = arith.constant 0 : i32
    %dma_start3A_19 = tpu.memref_slice %arg2[%dma_start3A_17, %dma_start3A_18] : memref<10240x128xf32, #tpu.memory_space<hbm>> -> memref<10240x128xf32, #tpu.memory_space<hbm>>
    tpu.enqueue_indirect_dma source(%dma_start3A_19 : memref<10240x128xf32, #tpu.memory_space<hbm>>) target(%arg9 : memref<80x128xf32, #tpu.memory_space<vmem>>) offsets(%dma_start3A_16 : memref<80xi32, #tpu.memory_space<vmem>>) semaphore(%arg11 : memref<!tpu.dma_semaphore, #tpu.memory_space<semaphore_mem>>)
    %scan3A_20 = arith.constant 0 : i32
    %scan3A_21 = arith.constant 0 : i32
    %scan3A_22 = arith.constant 62 : i32
    %scan3A_23 = arith.addi %scan3A_21, %scan3A_22 : i32
    %scan3A_24 = arith.constant 1 : i32
    %scan3A_25 = scf.for %scan3A_53 = %scan3A_21 to %scan3A_23 step %scan3A_24 iter_args(%scan3A_54 = %scan3A_20) -> (i32)  : i32 {
      %mul3A_55 = arith.constant 2 : i32
      %mul3A_56 = arith.muli %scan3A_53, %mul3A_55 : i32
      %gt3A = arith.constant 0 : i32
      %gt3A_57 = arith.cmpi sgt, %scan3A_53, %gt3A : i32
      %convert_element_type3A = arith.extui %gt3A_57 : i1 to i32
      %cond3A = arith.constant 0 : i32
      %cond3A_58 = arith.cmpi ne, %convert_element_type3A, %cond3A : i32
      scf.if %cond3A_58 {
        %dma_wait3A_107 = arith.constant 0 : i32
        %dma_wait3A_108 = arith.constant 0 : i32
        %dma_wait3A_109 = tpu.memref_slice %arg8[%dma_wait3A_107, %dma_wait3A_108] : memref<125x80xi32, #tpu.memory_space<vmem>> -> memref<1x80xi32, #tpu.memory_space<vmem>>
        %dma_wait3A_110 = tpu.memref_squeeze %dma_wait3A_109 : memref<1x80xi32, #tpu.memory_space<vmem>> -> memref<80xi32, #tpu.memory_space<vmem>>
        %dma_wait3A_111 = arith.constant 0 : i32
        %dma_wait3A_112 = arith.constant 0 : i32
        %dma_wait3A_113 = tpu.memref_slice %arg6[%dma_wait3A_111, %dma_wait3A_112] : memref<10240x128xf32, #tpu.memory_space<vmem_shared>> -> memref<10240x128xf32, #tpu.memory_space<vmem_shared>>
        tpu.wait_indirect_dma semaphore(%arg14 : memref<!tpu.dma_semaphore, #tpu.memory_space<semaphore_mem>>) src(%arg9 : memref<80x128xf32, #tpu.memory_space<vmem>>) dst(%dma_wait3A_113 : memref<10240x128xf32, #tpu.memory_space<vmem_shared>>)
      } else {
      }
      %add3A_59 = arith.constant 1 : i32
      %add3A_60 = arith.addi %mul3A_56, %add3A_59 : i32
      %mul3A_61 = arith.constant 80 : i32
      %mul3A_62 = arith.muli %add3A_60, %mul3A_61 : i32
      %dma_start3A_63 = tpu.memref_slice %arg7[%mul3A_62] : memref<10000xi32, #tpu.memory_space<vmem>> -> memref<80xi32, #tpu.memory_space<vmem>>
      %dma_start3A_64 = arith.constant 0 : i32
      %dma_start3A_65 = arith.constant 0 : i32
      %dma_start3A_66 = tpu.memref_slice %arg2[%dma_start3A_64, %dma_start3A_65] : memref<10240x128xf32, #tpu.memory_space<hbm>> -> memref<10240x128xf32, #tpu.memory_space<hbm>>
      tpu.enqueue_indirect_dma source(%dma_start3A_66 : memref<10240x128xf32, #tpu.memory_space<hbm>>) target(%arg10 : memref<80x128xf32, #tpu.memory_space<vmem>>) offsets(%dma_start3A_63 : memref<80xi32, #tpu.memory_space<vmem>>) semaphore(%arg12 : memref<!tpu.dma_semaphore, #tpu.memory_space<semaphore_mem>>)
      %dma_wait3A_67 = arith.constant 0 : i32
      %dma_wait3A_68 = tpu.memref_slice %arg7[%dma_wait3A_67] : memref<10000xi32, #tpu.memory_space<vmem>> -> memref<80xi32, #tpu.memory_space<vmem>>
      %dma_wait3A_69 = arith.constant 0 : i32
      %dma_wait3A_70 = arith.constant 0 : i32
      %dma_wait3A_71 = tpu.memref_slice %arg2[%dma_wait3A_69, %dma_wait3A_70] : memref<10240x128xf32, #tpu.memory_space<hbm>> -> memref<10240x128xf32, #tpu.memory_space<hbm>>
      tpu.wait_indirect_dma semaphore(%arg11 : memref<!tpu.dma_semaphore, #tpu.memory_space<semaphore_mem>>) src(%dma_wait3A_71 : memref<10240x128xf32, #tpu.memory_space<hbm>>) dst(%arg9 : memref<80x128xf32, #tpu.memory_space<vmem>>)
      %dma_start3A_72 = arith.constant 0 : i32
      %dma_start3A_73 = tpu.memref_slice %arg8[%mul3A_56, %dma_start3A_72] : memref<125x80xi32, #tpu.memory_space<vmem>> -> memref<1x80xi32, #tpu.memory_space<vmem>>
      %dma_start3A_74 = tpu.memref_squeeze %dma_start3A_73 : memref<1x80xi32, #tpu.memory_space<vmem>> -> memref<80xi32, #tpu.memory_space<vmem>>
      %dma_start3A_75 = arith.constant 0 : i32
      %dma_start3A_76 = arith.constant 0 : i32
      %dma_start3A_77 = tpu.memref_slice %arg6[%dma_start3A_75, %dma_start3A_76] : memref<10240x128xf32, #tpu.memory_space<vmem_shared>> -> memref<10240x128xf32, #tpu.memory_space<vmem_shared>>
      tpu.enqueue_indirect_dma source(%arg9 : memref<80x128xf32, #tpu.memory_space<vmem>>) target(%dma_start3A_77 : memref<10240x128xf32, #tpu.memory_space<vmem_shared>>) offsets(%dma_start3A_74 : memref<80xi32, #tpu.memory_space<vmem>>) semaphore(%arg13 : memref<!tpu.dma_semaphore, #tpu.memory_space<semaphore_mem>>) {add = true}
      %dma_wait3A_78 = arith.constant 0 : i32
      %dma_wait3A_79 = arith.constant 0 : i32
      %dma_wait3A_80 = tpu.memref_slice %arg8[%dma_wait3A_78, %dma_wait3A_79] : memref<125x80xi32, #tpu.memory_space<vmem>> -> memref<1x80xi32, #tpu.memory_space<vmem>>
      %dma_wait3A_81 = tpu.memref_squeeze %dma_wait3A_80 : memref<1x80xi32, #tpu.memory_space<vmem>> -> memref<80xi32, #tpu.memory_space<vmem>>
      %dma_wait3A_82 = arith.constant 0 : i32
      %dma_wait3A_83 = arith.constant 0 : i32
      %dma_wait3A_84 = tpu.memref_slice %arg6[%dma_wait3A_82, %dma_wait3A_83] : memref<10240x128xf32, #tpu.memory_space<vmem_shared>> -> memref<10240x128xf32, #tpu.memory_space<vmem_shared>>
      tpu.wait_indirect_dma semaphore(%arg13 : memref<!tpu.dma_semaphore, #tpu.memory_space<semaphore_mem>>) src(%arg9 : memref<80x128xf32, #tpu.memory_space<vmem>>) dst(%dma_wait3A_84 : memref<10240x128xf32, #tpu.memory_space<vmem_shared>>)
      %add3A_85 = arith.constant 2 : i32
      %add3A_86 = arith.addi %mul3A_56, %add3A_85 : i32
      %mul3A_87 = arith.constant 80 : i32
      %mul3A_88 = arith.muli %add3A_86, %mul3A_87 : i32
      %dma_start3A_89 = tpu.memref_slice %arg7[%mul3A_88] : memref<10000xi32, #tpu.memory_space<vmem>> -> memref<80xi32, #tpu.memory_space<vmem>>
      %dma_start3A_90 = arith.constant 0 : i32
      %dma_start3A_91 = arith.constant 0 : i32
      %dma_start3A_92 = tpu.memref_slice %arg2[%dma_start3A_90, %dma_start3A_91] : memref<10240x128xf32, #tpu.memory_space<hbm>> -> memref<10240x128xf32, #tpu.memory_space<hbm>>
      tpu.enqueue_indirect_dma source(%dma_start3A_92 : memref<10240x128xf32, #tpu.memory_space<hbm>>) target(%arg9 : memref<80x128xf32, #tpu.memory_space<vmem>>) offsets(%dma_start3A_89 : memref<80xi32, #tpu.memory_space<vmem>>) semaphore(%arg11 : memref<!tpu.dma_semaphore, #tpu.memory_space<semaphore_mem>>)
      %dma_wait3A_93 = arith.constant 0 : i32
      %dma_wait3A_94 = tpu.memref_slice %arg7[%dma_wait3A_93] : memref<10000xi32, #tpu.memory_space<vmem>> -> memref<80xi32, #tpu.memory_space<vmem>>
      %dma_wait3A_95 = arith.constant 0 : i32
      %dma_wait3A_96 = arith.constant 0 : i32
      %dma_wait3A_97 = tpu.memref_slice %arg2[%dma_wait3A_95, %dma_wait3A_96] : memref<10240x128xf32, #tpu.memory_space<hbm>> -> memref<10240x128xf32, #tpu.memory_space<hbm>>
      tpu.wait_indirect_dma semaphore(%arg12 : memref<!tpu.dma_semaphore, #tpu.memory_space<semaphore_mem>>) src(%dma_wait3A_97 : memref<10240x128xf32, #tpu.memory_space<hbm>>) dst(%arg10 : memref<80x128xf32, #tpu.memory_space<vmem>>)
      %add3A_98 = arith.constant 1 : i32
      %add3A_99 = arith.addi %mul3A_56, %add3A_98 : i32
      %dma_start3A_100 = arith.constant 0 : i32
      %dma_start3A_101 = tpu.memref_slice %arg8[%add3A_99, %dma_start3A_100] : memref<125x80xi32, #tpu.memory_space<vmem>> -> memref<1x80xi32, #tpu.memory_space<vmem>>
      %dma_start3A_102 = tpu.memref_squeeze %dma_start3A_101 : memref<1x80xi32, #tpu.memory_space<vmem>> -> memref<80xi32, #tpu.memory_space<vmem>>
      %dma_start3A_103 = arith.constant 0 : i32
      %dma_start3A_104 = arith.constant 0 : i32
      %dma_start3A_105 = tpu.memref_slice %arg6[%dma_start3A_103, %dma_start3A_104] : memref<10240x128xf32, #tpu.memory_space<vmem_shared>> -> memref<10240x128xf32, #tpu.memory_space<vmem_shared>>
      tpu.enqueue_indirect_dma source(%arg10 : memref<80x128xf32, #tpu.memory_space<vmem>>) target(%dma_start3A_105 : memref<10240x128xf32, #tpu.memory_space<vmem_shared>>) offsets(%dma_start3A_102 : memref<80xi32, #tpu.memory_space<vmem>>) semaphore(%arg14 : memref<!tpu.dma_semaphore, #tpu.memory_space<semaphore_mem>>) {add = true}
      %scan3A_106 = arith.constant 0 : i32
      scf.yield %scan3A_106 : i32
    }
    %scan3A_26 = arith.constant 62 : i32
    %dma_wait3A = arith.constant 0 : i32
    %dma_wait3A_27 = tpu.memref_slice %arg7[%dma_wait3A] : memref<10000xi32, #tpu.memory_space<vmem>> -> memref<80xi32, #tpu.memory_space<vmem>>
    %dma_wait3A_28 = arith.constant 0 : i32
    %dma_wait3A_29 = arith.constant 0 : i32
    %dma_wait3A_30 = tpu.memref_slice %arg2[%dma_wait3A_28, %dma_wait3A_29] : memref<10240x128xf32, #tpu.memory_space<hbm>> -> memref<10240x128xf32, #tpu.memory_space<hbm>>
    tpu.wait_indirect_dma semaphore(%arg11 : memref<!tpu.dma_semaphore, #tpu.memory_space<semaphore_mem>>) src(%dma_wait3A_30 : memref<10240x128xf32, #tpu.memory_space<hbm>>) dst(%arg9 : memref<80x128xf32, #tpu.memory_space<vmem>>)
    %dma_start3A_31 = arith.constant 124 : i32
    %dma_start3A_32 = arith.constant 0 : i32
    %dma_start3A_33 = tpu.memref_slice %arg8[%dma_start3A_31, %dma_start3A_32] : memref<125x80xi32, #tpu.memory_space<vmem>> -> memref<1x80xi32, #tpu.memory_space<vmem>>
    %dma_start3A_34 = tpu.memref_squeeze %dma_start3A_33 : memref<1x80xi32, #tpu.memory_space<vmem>> -> memref<80xi32, #tpu.memory_space<vmem>>
    %dma_start3A_35 = arith.constant 0 : i32
    %dma_start3A_36 = arith.constant 0 : i32
    %dma_start3A_37 = tpu.memref_slice %arg6[%dma_start3A_35, %dma_start3A_36] : memref<10240x128xf32, #tpu.memory_space<vmem_shared>> -> memref<10240x128xf32, #tpu.memory_space<vmem_shared>>
    tpu.enqueue_indirect_dma source(%arg9 : memref<80x128xf32, #tpu.memory_space<vmem>>) target(%dma_start3A_37 : memref<10240x128xf32, #tpu.memory_space<vmem_shared>>) offsets(%dma_start3A_34 : memref<80xi32, #tpu.memory_space<vmem>>) semaphore(%arg13 : memref<!tpu.dma_semaphore, #tpu.memory_space<semaphore_mem>>) {add = true}
    %dma_wait3A_38 = arith.constant 0 : i32
    %dma_wait3A_39 = arith.constant 0 : i32
    %dma_wait3A_40 = tpu.memref_slice %arg8[%dma_wait3A_38, %dma_wait3A_39] : memref<125x80xi32, #tpu.memory_space<vmem>> -> memref<1x80xi32, #tpu.memory_space<vmem>>
    %dma_wait3A_41 = tpu.memref_squeeze %dma_wait3A_40 : memref<1x80xi32, #tpu.memory_space<vmem>> -> memref<80xi32, #tpu.memory_space<vmem>>
    %dma_wait3A_42 = arith.constant 0 : i32
    %dma_wait3A_43 = arith.constant 0 : i32
    %dma_wait3A_44 = tpu.memref_slice %arg6[%dma_wait3A_42, %dma_wait3A_43] : memref<10240x128xf32, #tpu.memory_space<vmem_shared>> -> memref<10240x128xf32, #tpu.memory_space<vmem_shared>>
    tpu.wait_indirect_dma semaphore(%arg13 : memref<!tpu.dma_semaphore, #tpu.memory_space<semaphore_mem>>) src(%arg9 : memref<80x128xf32, #tpu.memory_space<vmem>>) dst(%dma_wait3A_44 : memref<10240x128xf32, #tpu.memory_space<vmem_shared>>)
    %dma_wait3A_45 = arith.constant 0 : i32
    %dma_wait3A_46 = arith.constant 0 : i32
    %dma_wait3A_47 = tpu.memref_slice %arg8[%dma_wait3A_45, %dma_wait3A_46] : memref<125x80xi32, #tpu.memory_space<vmem>> -> memref<1x80xi32, #tpu.memory_space<vmem>>
    %dma_wait3A_48 = tpu.memref_squeeze %dma_wait3A_47 : memref<1x80xi32, #tpu.memory_space<vmem>> -> memref<80xi32, #tpu.memory_space<vmem>>
    %dma_wait3A_49 = arith.constant 0 : i32
    %dma_wait3A_50 = arith.constant 0 : i32
    %dma_wait3A_51 = tpu.memref_slice %arg6[%dma_wait3A_49, %dma_wait3A_50] : memref<10240x128xf32, #tpu.memory_space<vmem_shared>> -> memref<10240x128xf32, #tpu.memory_space<vmem_shared>>
    tpu.wait_indirect_dma semaphore(%arg14 : memref<!tpu.dma_semaphore, #tpu.memory_space<semaphore_mem>>) src(%arg9 : memref<80x128xf32, #tpu.memory_space<vmem>>) dst(%dma_wait3A_51 : memref<10240x128xf32, #tpu.memory_space<vmem_shared>>)
    %barrier3A_52 = arith.constant 0 : index
    tpu.barrier barrier_id(%barrier3A_52)
    "tpu.region"() ({
      %run_scoped3A = tpu.sem_alloc : memref<!tpu.dma_semaphore, #tpu.memory_space<semaphore_mem>>
      %dma_start3A_53 = arith.constant 0 : i32
      %dma_start3A_54 = arith.constant 0 : i32
      %dma_start3A_55 = tpu.memref_slice %arg5[%arg0, %dma_start3A_53, %dma_start3A_54] : memref<2x10240x128xf32, #tpu.memory_space<hbm>> -> memref<1x10240x128xf32, #tpu.memory_space<hbm>>
      %dma_start3A_56 = tpu.memref_squeeze %dma_start3A_55 : memref<1x10240x128xf32, #tpu.memory_space<hbm>> -> memref<10240x128xf32, #tpu.memory_space<hbm>>
      %dma_start3A_57 = arith.constant 0 : i32
      %dma_start3A_58 = tpu.memref_slice %dma_start3A_56[%multiple_of3A, %dma_start3A_57] : memref<10240x128xf32, #tpu.memory_space<hbm>> -> memref<640x128xf32, #tpu.memory_space<hbm>>
      %dma_start3A_59 = arith.constant 0 : i32
      %dma_start3A_60 = tpu.memref_slice %arg6[%multiple_of3A, %dma_start3A_59] : memref<10240x128xf32, #tpu.memory_space<vmem_shared>> -> memref<640x128xf32, #tpu.memory_space<vmem_shared>>
      tpu.enqueue_dma source(%dma_start3A_60 : memref<640x128xf32, #tpu.memory_space<vmem_shared>>) target(%dma_start3A_58 : memref<640x128xf32, #tpu.memory_space<hbm>>) target_semaphore(%run_scoped3A : memref<!tpu.dma_semaphore, #tpu.memory_space<semaphore_mem>>)
      %dma_wait3A_61 = arith.constant 0 : i32
      %dma_wait3A_62 = arith.constant 0 : i32
      %dma_wait3A_63 = tpu.memref_slice %arg5[%arg0, %dma_wait3A_61, %dma_wait3A_62] : memref<2x10240x128xf32, #tpu.memory_space<hbm>> -> memref<1x10240x128xf32, #tpu.memory_space<hbm>>
      %dma_wait3A_64 = tpu.memref_squeeze %dma_wait3A_63 : memref<1x10240x128xf32, #tpu.memory_space<hbm>> -> memref<10240x128xf32, #tpu.memory_space<hbm>>
      %dma_wait3A_65 = arith.constant 0 : i32
      %dma_wait3A_66 = tpu.memref_slice %dma_wait3A_64[%multiple_of3A, %dma_wait3A_65] : memref<10240x128xf32, #tpu.memory_space<hbm>> -> memref<640x128xf32, #tpu.memory_space<hbm>>
      %dma_wait3A_67 = arith.constant 0 : i32
      %dma_wait3A_68 = tpu.memref_slice %arg6[%multiple_of3A, %dma_wait3A_67] : memref<10240x128xf32, #tpu.memory_space<vmem_shared>> -> memref<640x128xf32, #tpu.memory_space<vmem_shared>>
      tpu.wait_dma2 semaphore(%run_scoped3A : memref<!tpu.dma_semaphore, #tpu.memory_space<semaphore_mem>>) src(%dma_wait3A_68 : memref<640x128xf32, #tpu.memory_space<vmem_shared>>) dst(%dma_wait3A_66 : memref<640x128xf32, #tpu.memory_space<hbm>>)
      tpu.yield
    }) : () -> ()
    return
  }
}

#map = affine_map<(d0, d1) -> (0, 0)>
#map1 = affine_map<(d0, d1) -> (0, 0, 0)>
module attributes {stable_mosaic.version = 14 : i64} {
  func.func @k(%arg0: i32, %arg1: i32, %arg2: memref<10240x128xf32, #tpu.memory_space<hbm>>, %arg3: memref<32x10000xi32, #tpu.memory_space<hbm>>, %arg4: memref<32x125x80xi32, #tpu.memory_space<hbm>>, %arg5: memref<2x10240x128xf32, #tpu.memory_space<hbm>>, %arg6: memref<2x10240xf32, #tpu.memory_space<hbm>>, %arg7: memref<10240x128xf32, #tpu.memory_space<vmem_shared>>, %arg8: memref<10000xi32, #tpu.memory_space<vmem>>, %arg9: memref<125x80xi32, #tpu.memory_space<vmem>>, %arg10: memref<80x128xf32, #tpu.memory_space<vmem>>, %arg11: memref<80x128xf32, #tpu.memory_space<vmem>>, %arg12: memref<!tpu.dma_semaphore, #tpu.memory_space<semaphore_mem>>, %arg13: memref<!tpu.dma_semaphore, #tpu.memory_space<semaphore_mem>>, %arg14: memref<!tpu.dma_semaphore, #tpu.memory_space<semaphore_mem>>, %arg15: memref<!tpu.dma_semaphore, #tpu.memory_space<semaphore_mem>>, %arg16: memref<10240xf32, #tpu.memory_space<vmem_shared>>, %arg17: memref<640xf32, #tpu.memory_space<vmem>>, %arg18: memref<80xf32, #tpu.memory_space<vmem>>, %arg19: memref<!tpu.dma_semaphore, #tpu.memory_space<semaphore_mem>>) attributes {dimension_semantics = [#tpu.dimension_semantics<core_parallel>, #tpu.dimension_semantics<subcore_parallel>], iteration_bounds = array<i64: 2, 16>, scalar_prefetch = 0 : i64, scratch_operands = 13 : i64, tpu.core_type = #tpu.core_type<sc_vector_subcore>, window_params = [{transform_indices = #map}, {transform_indices = #map}, {transform_indices = #map1}, {transform_indices = #map1}, {transform_indices = #map}]} {
    %mul3A = arith.constant 2 : i32
    %mul3A_0 = arith.muli %arg1, %mul3A : i32
    %add3A = arith.addi %mul3A_0, %arg0 : i32
    %mul3A_1 = arith.constant 640 : i32
    %mul3A_2 = arith.muli %arg1, %mul3A_1 : i32
    %multiple_of3A = tpu.assume_multiple %mul3A_2, 640 : i32
    "tpu.region"() ({
      %run_scoped3A = tpu.sem_alloc : memref<!tpu.dma_semaphore, #tpu.memory_space<semaphore_mem>>
      %dma_start3A_80 = arith.constant 0 : i32
      %dma_start3A_81 = tpu.memref_slice %arg3[%add3A, %dma_start3A_80] : memref<32x10000xi32, #tpu.memory_space<hbm>> -> memref<1x10000xi32, #tpu.memory_space<hbm>>
      %dma_start3A_82 = tpu.memref_squeeze %dma_start3A_81 : memref<1x10000xi32, #tpu.memory_space<hbm>> -> memref<10000xi32, #tpu.memory_space<hbm>>
      %dma_start3A_83 = arith.constant 0 : i32
      %dma_start3A_84 = tpu.memref_slice %arg3[%add3A, %dma_start3A_83] : memref<32x10000xi32, #tpu.memory_space<hbm>> -> memref<1x10000xi32, #tpu.memory_space<hbm>>
      %dma_start3A_85 = tpu.memref_squeeze %dma_start3A_84 : memref<1x10000xi32, #tpu.memory_space<hbm>> -> memref<10000xi32, #tpu.memory_space<hbm>>
      tpu.enqueue_dma source(%dma_start3A_85 : memref<10000xi32, #tpu.memory_space<hbm>>) target(%arg8 : memref<10000xi32, #tpu.memory_space<vmem>>) target_semaphore(%run_scoped3A : memref<!tpu.dma_semaphore, #tpu.memory_space<semaphore_mem>>)
      %dma_wait3A_86 = arith.constant 0 : i32
      %dma_wait3A_87 = tpu.memref_slice %arg3[%add3A, %dma_wait3A_86] : memref<32x10000xi32, #tpu.memory_space<hbm>> -> memref<1x10000xi32, #tpu.memory_space<hbm>>
      %dma_wait3A_88 = tpu.memref_squeeze %dma_wait3A_87 : memref<1x10000xi32, #tpu.memory_space<hbm>> -> memref<10000xi32, #tpu.memory_space<hbm>>
      %dma_wait3A_89 = arith.constant 0 : i32
      %dma_wait3A_90 = tpu.memref_slice %arg3[%add3A, %dma_wait3A_89] : memref<32x10000xi32, #tpu.memory_space<hbm>> -> memref<1x10000xi32, #tpu.memory_space<hbm>>
      %dma_wait3A_91 = tpu.memref_squeeze %dma_wait3A_90 : memref<1x10000xi32, #tpu.memory_space<hbm>> -> memref<10000xi32, #tpu.memory_space<hbm>>
      tpu.wait_dma2 semaphore(%run_scoped3A : memref<!tpu.dma_semaphore, #tpu.memory_space<semaphore_mem>>) src(%dma_wait3A_91 : memref<10000xi32, #tpu.memory_space<hbm>>) dst(%arg8 : memref<10000xi32, #tpu.memory_space<vmem>>)
      tpu.yield
    }) : () -> ()
    %scan3A = arith.constant 0 : i32
    %scan3A_3 = arith.constant 0 : i32
    %scan3A_4 = arith.constant 80 : i32
    %scan3A_5 = arith.addi %scan3A_3, %scan3A_4 : i32
    %scan3A_6 = arith.constant 1 : i32
    %scan3A_7 = scf.for %scan3A_80 = %scan3A_3 to %scan3A_5 step %scan3A_6 iter_args(%scan3A_81 = %scan3A) -> (i32)  : i32 {
      %scan3A_82 = arith.constant 0 : i32
      %scan3A_83 = arith.constant 0 : i32
      %scan3A_84 = arith.constant 8 : i32
      %scan3A_85 = arith.addi %scan3A_83, %scan3A_84 : i32
      %scan3A_86 = arith.constant 1 : i32
      %scan3A_87 = scf.for %scan3A_89 = %scan3A_83 to %scan3A_85 step %scan3A_86 iter_args(%scan3A_90 = %scan3A_82) -> (i32)  : i32 {
        %broadcast_in_dim3A = arith.constant 0.000000e+00 : f32
        %broadcast_in_dim3A_91 = vector.broadcast %broadcast_in_dim3A : f32 to vector<16xf32>
        %mul3A_92 = arith.constant 16 : i32
        %mul3A_93 = arith.muli %scan3A_89, %mul3A_92 : i32
        %swap3A = arith.index_cast %scan3A_80 : i32 to index
        %swap3A_94 = arith.index_cast %mul3A_93 : i32 to index
        %swap3A_95 = tpu.vector_load %arg10[%swap3A, %swap3A_94] {strides = array<i32>} : memref<80x128xf32, #tpu.memory_space<vmem>>, vector<1x16xf32>,
        %swap3A_96 = vector.shape_cast %swap3A_95 : vector<1x16xf32> to vector<16xf32>
        %swap3A_97 = vector.shape_cast %broadcast_in_dim3A_91 : vector<16xf32> to vector<1x16xf32>
        tpu.vector_store %arg10[%swap3A, %swap3A_94], %swap3A_97 {strides = array<i32>} : memref<80x128xf32, #tpu.memory_space<vmem>>, vector<1x16xf32>,
        %scan3A_98 = arith.constant 0 : i32
        scf.yield %scan3A_98 : i32
      }
      %scan3A_88 = arith.constant 8 : i32
      scf.yield %scan3A_87 : i32
    }
    %scan3A_8 = arith.constant 80 : i32
    %scan3A_9 = arith.constant 0 : i32
    %scan3A_10 = arith.constant 0 : i32
    %scan3A_11 = arith.constant 8 : i32
    %scan3A_12 = arith.addi %scan3A_10, %scan3A_11 : i32
    %scan3A_13 = arith.constant 1 : i32
    %scan3A_14 = scf.for %scan3A_80 = %scan3A_10 to %scan3A_12 step %scan3A_13 iter_args(%scan3A_81 = %scan3A_9) -> (i32)  : i32 {
      %mul3A_82 = arith.constant 80 : i32
      %mul3A_83 = arith.muli %scan3A_80, %mul3A_82 : i32
      %add3A_84 = arith.addi %multiple_of3A, %mul3A_83 : i32
      "tpu.region"() ({
        %run_scoped3A = tpu.sem_alloc : memref<!tpu.dma_semaphore, #tpu.memory_space<semaphore_mem>>
        %dma_start3A_86 = arith.constant 0 : i32
        %dma_start3A_87 = tpu.memref_slice %arg7[%add3A_84, %dma_start3A_86] : memref<10240x128xf32, #tpu.memory_space<vmem_shared>> -> memref<80x128xf32, #tpu.memory_space<vmem_shared>>
        %dma_start3A_88 = arith.constant 0 : i32
        %dma_start3A_89 = tpu.memref_slice %arg7[%add3A_84, %dma_start3A_88] : memref<10240x128xf32, #tpu.memory_space<vmem_shared>> -> memref<80x128xf32, #tpu.memory_space<vmem_shared>>
        tpu.enqueue_dma source(%arg10 : memref<80x128xf32, #tpu.memory_space<vmem>>) target(%dma_start3A_89 : memref<80x128xf32, #tpu.memory_space<vmem_shared>>) target_semaphore(%run_scoped3A : memref<!tpu.dma_semaphore, #tpu.memory_space<semaphore_mem>>)
        %dma_wait3A_90 = arith.constant 0 : i32
        %dma_wait3A_91 = tpu.memref_slice %arg7[%add3A_84, %dma_wait3A_90] : memref<10240x128xf32, #tpu.memory_space<vmem_shared>> -> memref<80x128xf32, #tpu.memory_space<vmem_shared>>
        %dma_wait3A_92 = arith.constant 0 : i32
        %dma_wait3A_93 = tpu.memref_slice %arg7[%add3A_84, %dma_wait3A_92] : memref<10240x128xf32, #tpu.memory_space<vmem_shared>> -> memref<80x128xf32, #tpu.memory_space<vmem_shared>>
        tpu.wait_dma2 semaphore(%run_scoped3A : memref<!tpu.dma_semaphore, #tpu.memory_space<semaphore_mem>>) src(%arg10 : memref<80x128xf32, #tpu.memory_space<vmem>>) dst(%dma_wait3A_93 : memref<80x128xf32, #tpu.memory_space<vmem_shared>>)
        tpu.yield
      }) : () -> ()
      %scan3A_85 = arith.constant 0 : i32
      scf.yield %scan3A_85 : i32
    }
    %scan3A_15 = arith.constant 8 : i32
    %scan3A_16 = arith.constant 0 : i32
    %scan3A_17 = arith.constant 0 : i32
    %scan3A_18 = arith.constant 40 : i32
    %scan3A_19 = arith.addi %scan3A_17, %scan3A_18 : i32
    %scan3A_20 = arith.constant 1 : i32
    %scan3A_21 = scf.for %scan3A_80 = %scan3A_17 to %scan3A_19 step %scan3A_20 iter_args(%scan3A_81 = %scan3A_16) -> (i32)  : i32 {
      %broadcast_in_dim3A = arith.constant 0.000000e+00 : f32
      %broadcast_in_dim3A_82 = vector.broadcast %broadcast_in_dim3A : f32 to vector<16xf32>
      %mul3A_83 = arith.constant 16 : i32
      %mul3A_84 = arith.muli %scan3A_80, %mul3A_83 : i32
      %swap3A = arith.index_cast %mul3A_84 : i32 to index
      %swap3A_85 = tpu.vector_load %arg17[%swap3A] {strides = array<i32>} : memref<640xf32, #tpu.memory_space<vmem>>, vector<16xf32>,
      %swap3A_86 = vector.shape_cast %swap3A_85 : vector<16xf32> to vector<16xf32>
      %swap3A_87 = vector.shape_cast %broadcast_in_dim3A_82 : vector<16xf32> to vector<16xf32>
      tpu.vector_store %arg17[%swap3A], %swap3A_87 {strides = array<i32>} : memref<640xf32, #tpu.memory_space<vmem>>, vector<16xf32>,
      %scan3A_88 = arith.constant 0 : i32
      scf.yield %scan3A_88 : i32
    }
    %scan3A_22 = arith.constant 40 : i32
    %scan3A_23 = arith.constant 0 : i32
    %scan3A_24 = arith.constant 0 : i32
    %scan3A_25 = arith.constant 5 : i32
    %scan3A_26 = arith.addi %scan3A_24, %scan3A_25 : i32
    %scan3A_27 = arith.constant 1 : i32
    %scan3A_28 = scf.for %scan3A_80 = %scan3A_24 to %scan3A_26 step %scan3A_27 iter_args(%scan3A_81 = %scan3A_23) -> (i32)  : i32 {
      %broadcast_in_dim3A = arith.constant 1.000000e+00 : f32
      %broadcast_in_dim3A_82 = vector.broadcast %broadcast_in_dim3A : f32 to vector<16xf32>
      %mul3A_83 = arith.constant 16 : i32
      %mul3A_84 = arith.muli %scan3A_80, %mul3A_83 : i32
      %swap3A = arith.index_cast %mul3A_84 : i32 to index
      %swap3A_85 = tpu.vector_load %arg18[%swap3A] {strides = array<i32>} : memref<80xf32, #tpu.memory_space<vmem>>, vector<16xf32>,
      %swap3A_86 = vector.shape_cast %swap3A_85 : vector<16xf32> to vector<16xf32>
      %swap3A_87 = vector.shape_cast %broadcast_in_dim3A_82 : vector<16xf32> to vector<16xf32>
      tpu.vector_store %arg18[%swap3A], %swap3A_87 {strides = array<i32>} : memref<80xf32, #tpu.memory_space<vmem>>, vector<16xf32>,
      %scan3A_88 = arith.constant 0 : i32
      scf.yield %scan3A_88 : i32
    }
    %scan3A_29 = arith.constant 5 : i32
    "tpu.region"() ({
      %run_scoped3A = tpu.sem_alloc : memref<!tpu.dma_semaphore, #tpu.memory_space<semaphore_mem>>
      %dma_start3A_80 = tpu.memref_slice %arg16[%multiple_of3A] : memref<10240xf32, #tpu.memory_space<vmem_shared>> -> memref<640xf32, #tpu.memory_space<vmem_shared>>
      %dma_start3A_81 = tpu.memref_slice %arg16[%multiple_of3A] : memref<10240xf32, #tpu.memory_space<vmem_shared>> -> memref<640xf32, #tpu.memory_space<vmem_shared>>
      tpu.enqueue_dma source(%arg17 : memref<640xf32, #tpu.memory_space<vmem>>) target(%dma_start3A_81 : memref<640xf32, #tpu.memory_space<vmem_shared>>) target_semaphore(%run_scoped3A : memref<!tpu.dma_semaphore, #tpu.memory_space<semaphore_mem>>)
      %dma_wait3A_82 = tpu.memref_slice %arg16[%multiple_of3A] : memref<10240xf32, #tpu.memory_space<vmem_shared>> -> memref<640xf32, #tpu.memory_space<vmem_shared>>
      %dma_wait3A_83 = tpu.memref_slice %arg16[%multiple_of3A] : memref<10240xf32, #tpu.memory_space<vmem_shared>> -> memref<640xf32, #tpu.memory_space<vmem_shared>>
      tpu.wait_dma2 semaphore(%run_scoped3A : memref<!tpu.dma_semaphore, #tpu.memory_space<semaphore_mem>>) src(%arg17 : memref<640xf32, #tpu.memory_space<vmem>>) dst(%dma_wait3A_83 : memref<640xf32, #tpu.memory_space<vmem_shared>>)
      tpu.yield
    }) : () -> ()
    %barrier3A = arith.constant 0 : index
    tpu.barrier barrier_id(%barrier3A)
    "tpu.region"() ({
      %run_scoped3A = tpu.sem_alloc : memref<!tpu.dma_semaphore, #tpu.memory_space<semaphore_mem>>
      %dma_start3A_80 = arith.constant 0 : i32
      %dma_start3A_81 = arith.constant 0 : i32
      %dma_start3A_82 = tpu.memref_slice %arg4[%add3A, %dma_start3A_80, %dma_start3A_81] : memref<32x125x80xi32, #tpu.memory_space<hbm>> -> memref<1x125x80xi32, #tpu.memory_space<hbm>>
      %dma_start3A_83 = tpu.memref_squeeze %dma_start3A_82 : memref<1x125x80xi32, #tpu.memory_space<hbm>> -> memref<125x80xi32, #tpu.memory_space<hbm>>
      %dma_start3A_84 = arith.constant 0 : i32
      %dma_start3A_85 = arith.constant 0 : i32
      %dma_start3A_86 = tpu.memref_slice %arg4[%add3A, %dma_start3A_84, %dma_start3A_85] : memref<32x125x80xi32, #tpu.memory_space<hbm>> -> memref<1x125x80xi32, #tpu.memory_space<hbm>>
      %dma_start3A_87 = tpu.memref_squeeze %dma_start3A_86 : memref<1x125x80xi32, #tpu.memory_space<hbm>> -> memref<125x80xi32, #tpu.memory_space<hbm>>
      tpu.enqueue_dma source(%dma_start3A_87 : memref<125x80xi32, #tpu.memory_space<hbm>>) target(%arg9 : memref<125x80xi32, #tpu.memory_space<vmem>>) target_semaphore(%run_scoped3A : memref<!tpu.dma_semaphore, #tpu.memory_space<semaphore_mem>>)
      %dma_wait3A_88 = arith.constant 0 : i32
      %dma_wait3A_89 = arith.constant 0 : i32
      %dma_wait3A_90 = tpu.memref_slice %arg4[%add3A, %dma_wait3A_88, %dma_wait3A_89] : memref<32x125x80xi32, #tpu.memory_space<hbm>> -> memref<1x125x80xi32, #tpu.memory_space<hbm>>
      %dma_wait3A_91 = tpu.memref_squeeze %dma_wait3A_90 : memref<1x125x80xi32, #tpu.memory_space<hbm>> -> memref<125x80xi32, #tpu.memory_space<hbm>>
      %dma_wait3A_92 = arith.constant 0 : i32
      %dma_wait3A_93 = arith.constant 0 : i32
      %dma_wait3A_94 = tpu.memref_slice %arg4[%add3A, %dma_wait3A_92, %dma_wait3A_93] : memref<32x125x80xi32, #tpu.memory_space<hbm>> -> memref<1x125x80xi32, #tpu.memory_space<hbm>>
      %dma_wait3A_95 = tpu.memref_squeeze %dma_wait3A_94 : memref<1x125x80xi32, #tpu.memory_space<hbm>> -> memref<125x80xi32, #tpu.memory_space<hbm>>
      tpu.wait_dma2 semaphore(%run_scoped3A : memref<!tpu.dma_semaphore, #tpu.memory_space<semaphore_mem>>) src(%dma_wait3A_95 : memref<125x80xi32, #tpu.memory_space<hbm>>) dst(%arg9 : memref<125x80xi32, #tpu.memory_space<vmem>>)
      tpu.yield
    }) : () -> ()
    %dma_start3A = arith.constant 0 : i32
    %dma_start3A_30 = tpu.memref_slice %arg8[%dma_start3A] : memref<10000xi32, #tpu.memory_space<vmem>> -> memref<80xi32, #tpu.memory_space<vmem>>
    %dma_start3A_31 = arith.constant 0 : i32
    %dma_start3A_32 = arith.constant 0 : i32
    %dma_start3A_33 = tpu.memref_slice %arg2[%dma_start3A_31, %dma_start3A_32] : memref<10240x128xf32, #tpu.memory_space<hbm>> -> memref<10240x128xf32, #tpu.memory_space<hbm>>
    tpu.enqueue_indirect_dma source(%dma_start3A_33 : memref<10240x128xf32, #tpu.memory_space<hbm>>) target(%arg10 : memref<80x128xf32, #tpu.memory_space<vmem>>) offsets(%dma_start3A_30 : memref<80xi32, #tpu.memory_space<vmem>>) semaphore(%arg12 : memref<!tpu.dma_semaphore, #tpu.memory_space<semaphore_mem>>)
    %scan3A_34 = arith.constant 0 : i32
    %scan3A_35 = arith.constant 0 : i32
    %scan3A_36 = arith.constant 62 : i32
    %scan3A_37 = arith.addi %scan3A_35, %scan3A_36 : i32
    %scan3A_38 = arith.constant 1 : i32
    %scan3A_39 = scf.for %scan3A_80 = %scan3A_35 to %scan3A_37 step %scan3A_38 iter_args(%scan3A_81 = %scan3A_34) -> (i32)  : i32 {
      %mul3A_82 = arith.constant 2 : i32
      %mul3A_83 = arith.muli %scan3A_80, %mul3A_82 : i32
      %gt3A = arith.constant 0 : i32
      %gt3A_84 = arith.cmpi sgt, %scan3A_80, %gt3A : i32
      %convert_element_type3A = arith.extui %gt3A_84 : i1 to i32
      %cond3A = arith.constant 0 : i32
      %cond3A_85 = arith.cmpi ne, %convert_element_type3A, %cond3A : i32
      scf.if %cond3A_85 {
        %dma_wait3A_144 = arith.constant 0 : i32
        %dma_wait3A_145 = arith.constant 0 : i32
        %dma_wait3A_146 = tpu.memref_slice %arg9[%dma_wait3A_144, %dma_wait3A_145] : memref<125x80xi32, #tpu.memory_space<vmem>> -> memref<1x80xi32, #tpu.memory_space<vmem>>
        %dma_wait3A_147 = tpu.memref_squeeze %dma_wait3A_146 : memref<1x80xi32, #tpu.memory_space<vmem>> -> memref<80xi32, #tpu.memory_space<vmem>>
        %dma_wait3A_148 = arith.constant 0 : i32
        %dma_wait3A_149 = arith.constant 0 : i32
        %dma_wait3A_150 = tpu.memref_slice %arg7[%dma_wait3A_148, %dma_wait3A_149] : memref<10240x128xf32, #tpu.memory_space<vmem_shared>> -> memref<10240x128xf32, #tpu.memory_space<vmem_shared>>
        tpu.wait_indirect_dma semaphore(%arg15 : memref<!tpu.dma_semaphore, #tpu.memory_space<semaphore_mem>>) src(%arg10 : memref<80x128xf32, #tpu.memory_space<vmem>>) dst(%dma_wait3A_150 : memref<10240x128xf32, #tpu.memory_space<vmem_shared>>)
      } else {
      }
      %add3A_86 = arith.constant 1 : i32
      %add3A_87 = arith.addi %mul3A_83, %add3A_86 : i32
      %mul3A_88 = arith.constant 80 : i32
      %mul3A_89 = arith.muli %add3A_87, %mul3A_88 : i32
      %dma_start3A_90 = tpu.memref_slice %arg8[%mul3A_89] : memref<10000xi32, #tpu.memory_space<vmem>> -> memref<80xi32, #tpu.memory_space<vmem>>
      %dma_start3A_91 = arith.constant 0 : i32
      %dma_start3A_92 = arith.constant 0 : i32
      %dma_start3A_93 = tpu.memref_slice %arg2[%dma_start3A_91, %dma_start3A_92] : memref<10240x128xf32, #tpu.memory_space<hbm>> -> memref<10240x128xf32, #tpu.memory_space<hbm>>
      tpu.enqueue_indirect_dma source(%dma_start3A_93 : memref<10240x128xf32, #tpu.memory_space<hbm>>) target(%arg11 : memref<80x128xf32, #tpu.memory_space<vmem>>) offsets(%dma_start3A_90 : memref<80xi32, #tpu.memory_space<vmem>>) semaphore(%arg13 : memref<!tpu.dma_semaphore, #tpu.memory_space<semaphore_mem>>)
      %dma_wait3A_94 = arith.constant 0 : i32
      %dma_wait3A_95 = tpu.memref_slice %arg8[%dma_wait3A_94] : memref<10000xi32, #tpu.memory_space<vmem>> -> memref<80xi32, #tpu.memory_space<vmem>>
      %dma_wait3A_96 = arith.constant 0 : i32
      %dma_wait3A_97 = arith.constant 0 : i32
      %dma_wait3A_98 = tpu.memref_slice %arg2[%dma_wait3A_96, %dma_wait3A_97] : memref<10240x128xf32, #tpu.memory_space<hbm>> -> memref<10240x128xf32, #tpu.memory_space<hbm>>
      tpu.wait_indirect_dma semaphore(%arg12 : memref<!tpu.dma_semaphore, #tpu.memory_space<semaphore_mem>>) src(%dma_wait3A_98 : memref<10240x128xf32, #tpu.memory_space<hbm>>) dst(%arg10 : memref<80x128xf32, #tpu.memory_space<vmem>>)
      %dma_start3A_99 = arith.constant 0 : i32
      %dma_start3A_100 = tpu.memref_slice %arg9[%mul3A_83, %dma_start3A_99] : memref<125x80xi32, #tpu.memory_space<vmem>> -> memref<1x80xi32, #tpu.memory_space<vmem>>
      %dma_start3A_101 = tpu.memref_squeeze %dma_start3A_100 : memref<1x80xi32, #tpu.memory_space<vmem>> -> memref<80xi32, #tpu.memory_space<vmem>>
      %dma_start3A_102 = arith.constant 0 : i32
      %dma_start3A_103 = arith.constant 0 : i32
      %dma_start3A_104 = tpu.memref_slice %arg7[%dma_start3A_102, %dma_start3A_103] : memref<10240x128xf32, #tpu.memory_space<vmem_shared>> -> memref<10240x128xf32, #tpu.memory_space<vmem_shared>>
      tpu.enqueue_indirect_dma source(%arg10 : memref<80x128xf32, #tpu.memory_space<vmem>>) target(%dma_start3A_104 : memref<10240x128xf32, #tpu.memory_space<vmem_shared>>) offsets(%dma_start3A_101 : memref<80xi32, #tpu.memory_space<vmem>>) semaphore(%arg14 : memref<!tpu.dma_semaphore, #tpu.memory_space<semaphore_mem>>) {add = true}
      %dma_start3A_105 = arith.constant 0 : i32
      %dma_start3A_106 = tpu.memref_slice %arg9[%mul3A_83, %dma_start3A_105] : memref<125x80xi32, #tpu.memory_space<vmem>> -> memref<1x80xi32, #tpu.memory_space<vmem>>
      %dma_start3A_107 = tpu.memref_squeeze %dma_start3A_106 : memref<1x80xi32, #tpu.memory_space<vmem>> -> memref<80xi32, #tpu.memory_space<vmem>>
      %dma_start3A_108 = arith.constant 0 : i32
      %dma_start3A_109 = tpu.memref_slice %arg16[%dma_start3A_108] : memref<10240xf32, #tpu.memory_space<vmem_shared>> -> memref<10240xf32, #tpu.memory_space<vmem_shared>>
      tpu.enqueue_indirect_dma source(%arg18 : memref<80xf32, #tpu.memory_space<vmem>>) target(%dma_start3A_109 : memref<10240xf32, #tpu.memory_space<vmem_shared>>) offsets(%dma_start3A_107 : memref<80xi32, #tpu.memory_space<vmem>>) semaphore(%arg19 : memref<!tpu.dma_semaphore, #tpu.memory_space<semaphore_mem>>) {add = true}
      %dma_wait3A_110 = arith.constant 0 : i32
      %dma_wait3A_111 = arith.constant 0 : i32
      %dma_wait3A_112 = tpu.memref_slice %arg9[%dma_wait3A_110, %dma_wait3A_111] : memref<125x80xi32, #tpu.memory_space<vmem>> -> memref<1x80xi32, #tpu.memory_space<vmem>>
      %dma_wait3A_113 = tpu.memref_squeeze %dma_wait3A_112 : memref<1x80xi32, #tpu.memory_space<vmem>> -> memref<80xi32, #tpu.memory_space<vmem>>
      %dma_wait3A_114 = arith.constant 0 : i32
      %dma_wait3A_115 = arith.constant 0 : i32
      %dma_wait3A_116 = tpu.memref_slice %arg7[%dma_wait3A_114, %dma_wait3A_115] : memref<10240x128xf32, #tpu.memory_space<vmem_shared>> -> memref<10240x128xf32, #tpu.memory_space<vmem_shared>>
      tpu.wait_indirect_dma semaphore(%arg14 : memref<!tpu.dma_semaphore, #tpu.memory_space<semaphore_mem>>) src(%arg10 : memref<80x128xf32, #tpu.memory_space<vmem>>) dst(%dma_wait3A_116 : memref<10240x128xf32, #tpu.memory_space<vmem_shared>>)
      %add3A_117 = arith.constant 2 : i32
      %add3A_118 = arith.addi %mul3A_83, %add3A_117 : i32
      %mul3A_119 = arith.constant 80 : i32
      %mul3A_120 = arith.muli %add3A_118, %mul3A_119 : i32
      %dma_start3A_121 = tpu.memref_slice %arg8[%mul3A_120] : memref<10000xi32, #tpu.memory_space<vmem>> -> memref<80xi32, #tpu.memory_space<vmem>>
      %dma_start3A_122 = arith.constant 0 : i32
      %dma_start3A_123 = arith.constant 0 : i32
      %dma_start3A_124 = tpu.memref_slice %arg2[%dma_start3A_122, %dma_start3A_123] : memref<10240x128xf32, #tpu.memory_space<hbm>> -> memref<10240x128xf32, #tpu.memory_space<hbm>>
      tpu.enqueue_indirect_dma source(%dma_start3A_124 : memref<10240x128xf32, #tpu.memory_space<hbm>>) target(%arg10 : memref<80x128xf32, #tpu.memory_space<vmem>>) offsets(%dma_start3A_121 : memref<80xi32, #tpu.memory_space<vmem>>) semaphore(%arg12 : memref<!tpu.dma_semaphore, #tpu.memory_space<semaphore_mem>>)
      %dma_wait3A_125 = arith.constant 0 : i32
      %dma_wait3A_126 = tpu.memref_slice %arg8[%dma_wait3A_125] : memref<10000xi32, #tpu.memory_space<vmem>> -> memref<80xi32, #tpu.memory_space<vmem>>
      %dma_wait3A_127 = arith.constant 0 : i32
      %dma_wait3A_128 = arith.constant 0 : i32
      %dma_wait3A_129 = tpu.memref_slice %arg2[%dma_wait3A_127, %dma_wait3A_128] : memref<10240x128xf32, #tpu.memory_space<hbm>> -> memref<10240x128xf32, #tpu.memory_space<hbm>>
      tpu.wait_indirect_dma semaphore(%arg13 : memref<!tpu.dma_semaphore, #tpu.memory_space<semaphore_mem>>) src(%dma_wait3A_129 : memref<10240x128xf32, #tpu.memory_space<hbm>>) dst(%arg11 : memref<80x128xf32, #tpu.memory_space<vmem>>)
      %add3A_130 = arith.constant 1 : i32
      %add3A_131 = arith.addi %mul3A_83, %add3A_130 : i32
      %dma_start3A_132 = arith.constant 0 : i32
      %dma_start3A_133 = tpu.memref_slice %arg9[%add3A_131, %dma_start3A_132] : memref<125x80xi32, #tpu.memory_space<vmem>> -> memref<1x80xi32, #tpu.memory_space<vmem>>
      %dma_start3A_134 = tpu.memref_squeeze %dma_start3A_133 : memref<1x80xi32, #tpu.memory_space<vmem>> -> memref<80xi32, #tpu.memory_space<vmem>>
      %dma_start3A_135 = arith.constant 0 : i32
      %dma_start3A_136 = arith.constant 0 : i32
      %dma_start3A_137 = tpu.memref_slice %arg7[%dma_start3A_135, %dma_start3A_136] : memref<10240x128xf32, #tpu.memory_space<vmem_shared>> -> memref<10240x128xf32, #tpu.memory_space<vmem_shared>>
      tpu.enqueue_indirect_dma source(%arg11 : memref<80x128xf32, #tpu.memory_space<vmem>>) target(%dma_start3A_137 : memref<10240x128xf32, #tpu.memory_space<vmem_shared>>) offsets(%dma_start3A_134 : memref<80xi32, #tpu.memory_space<vmem>>) semaphore(%arg15 : memref<!tpu.dma_semaphore, #tpu.memory_space<semaphore_mem>>) {add = true}
      %dma_start3A_138 = arith.constant 0 : i32
      %dma_start3A_139 = tpu.memref_slice %arg9[%add3A_131, %dma_start3A_138] : memref<125x80xi32, #tpu.memory_space<vmem>> -> memref<1x80xi32, #tpu.memory_space<vmem>>
      %dma_start3A_140 = tpu.memref_squeeze %dma_start3A_139 : memref<1x80xi32, #tpu.memory_space<vmem>> -> memref<80xi32, #tpu.memory_space<vmem>>
      %dma_start3A_141 = arith.constant 0 : i32
      %dma_start3A_142 = tpu.memref_slice %arg16[%dma_start3A_141] : memref<10240xf32, #tpu.memory_space<vmem_shared>> -> memref<10240xf32, #tpu.memory_space<vmem_shared>>
      tpu.enqueue_indirect_dma source(%arg18 : memref<80xf32, #tpu.memory_space<vmem>>) target(%dma_start3A_142 : memref<10240xf32, #tpu.memory_space<vmem_shared>>) offsets(%dma_start3A_140 : memref<80xi32, #tpu.memory_space<vmem>>) semaphore(%arg19 : memref<!tpu.dma_semaphore, #tpu.memory_space<semaphore_mem>>) {add = true}
      %scan3A_143 = arith.constant 0 : i32
      scf.yield %scan3A_143 : i32
    }
    %scan3A_40 = arith.constant 62 : i32
    %dma_wait3A = arith.constant 0 : i32
    %dma_wait3A_41 = tpu.memref_slice %arg8[%dma_wait3A] : memref<10000xi32, #tpu.memory_space<vmem>> -> memref<80xi32, #tpu.memory_space<vmem>>
    %dma_wait3A_42 = arith.constant 0 : i32
    %dma_wait3A_43 = arith.constant 0 : i32
    %dma_wait3A_44 = tpu.memref_slice %arg2[%dma_wait3A_42, %dma_wait3A_43] : memref<10240x128xf32, #tpu.memory_space<hbm>> -> memref<10240x128xf32, #tpu.memory_space<hbm>>
    tpu.wait_indirect_dma semaphore(%arg12 : memref<!tpu.dma_semaphore, #tpu.memory_space<semaphore_mem>>) src(%dma_wait3A_44 : memref<10240x128xf32, #tpu.memory_space<hbm>>) dst(%arg10 : memref<80x128xf32, #tpu.memory_space<vmem>>)
    %dma_start3A_45 = arith.constant 124 : i32
    %dma_start3A_46 = arith.constant 0 : i32
    %dma_start3A_47 = tpu.memref_slice %arg9[%dma_start3A_45, %dma_start3A_46] : memref<125x80xi32, #tpu.memory_space<vmem>> -> memref<1x80xi32, #tpu.memory_space<vmem>>
    %dma_start3A_48 = tpu.memref_squeeze %dma_start3A_47 : memref<1x80xi32, #tpu.memory_space<vmem>> -> memref<80xi32, #tpu.memory_space<vmem>>
    %dma_start3A_49 = arith.constant 0 : i32
    %dma_start3A_50 = arith.constant 0 : i32
    %dma_start3A_51 = tpu.memref_slice %arg7[%dma_start3A_49, %dma_start3A_50] : memref<10240x128xf32, #tpu.memory_space<vmem_shared>> -> memref<10240x128xf32, #tpu.memory_space<vmem_shared>>
    tpu.enqueue_indirect_dma source(%arg10 : memref<80x128xf32, #tpu.memory_space<vmem>>) target(%dma_start3A_51 : memref<10240x128xf32, #tpu.memory_space<vmem_shared>>) offsets(%dma_start3A_48 : memref<80xi32, #tpu.memory_space<vmem>>) semaphore(%arg14 : memref<!tpu.dma_semaphore, #tpu.memory_space<semaphore_mem>>) {add = true}
    %dma_start3A_52 = arith.constant 124 : i32
    %dma_start3A_53 = arith.constant 0 : i32
    %dma_start3A_54 = tpu.memref_slice %arg9[%dma_start3A_52, %dma_start3A_53] : memref<125x80xi32, #tpu.memory_space<vmem>> -> memref<1x80xi32, #tpu.memory_space<vmem>>
    %dma_start3A_55 = tpu.memref_squeeze %dma_start3A_54 : memref<1x80xi32, #tpu.memory_space<vmem>> -> memref<80xi32, #tpu.memory_space<vmem>>
    %dma_start3A_56 = arith.constant 0 : i32
    %dma_start3A_57 = tpu.memref_slice %arg16[%dma_start3A_56] : memref<10240xf32, #tpu.memory_space<vmem_shared>> -> memref<10240xf32, #tpu.memory_space<vmem_shared>>
    tpu.enqueue_indirect_dma source(%arg18 : memref<80xf32, #tpu.memory_space<vmem>>) target(%dma_start3A_57 : memref<10240xf32, #tpu.memory_space<vmem_shared>>) offsets(%dma_start3A_55 : memref<80xi32, #tpu.memory_space<vmem>>) semaphore(%arg19 : memref<!tpu.dma_semaphore, #tpu.memory_space<semaphore_mem>>) {add = true}
    %dma_wait3A_58 = arith.constant 0 : i32
    %dma_wait3A_59 = arith.constant 0 : i32
    %dma_wait3A_60 = tpu.memref_slice %arg9[%dma_wait3A_58, %dma_wait3A_59] : memref<125x80xi32, #tpu.memory_space<vmem>> -> memref<1x80xi32, #tpu.memory_space<vmem>>
    %dma_wait3A_61 = tpu.memref_squeeze %dma_wait3A_60 : memref<1x80xi32, #tpu.memory_space<vmem>> -> memref<80xi32, #tpu.memory_space<vmem>>
    %dma_wait3A_62 = arith.constant 0 : i32
    %dma_wait3A_63 = arith.constant 0 : i32
    %dma_wait3A_64 = tpu.memref_slice %arg7[%dma_wait3A_62, %dma_wait3A_63] : memref<10240x128xf32, #tpu.memory_space<vmem_shared>> -> memref<10240x128xf32, #tpu.memory_space<vmem_shared>>
    tpu.wait_indirect_dma semaphore(%arg14 : memref<!tpu.dma_semaphore, #tpu.memory_space<semaphore_mem>>) src(%arg10 : memref<80x128xf32, #tpu.memory_space<vmem>>) dst(%dma_wait3A_64 : memref<10240x128xf32, #tpu.memory_space<vmem_shared>>)
    %dma_wait3A_65 = arith.constant 0 : i32
    %dma_wait3A_66 = arith.constant 0 : i32
    %dma_wait3A_67 = tpu.memref_slice %arg9[%dma_wait3A_65, %dma_wait3A_66] : memref<125x80xi32, #tpu.memory_space<vmem>> -> memref<1x80xi32, #tpu.memory_space<vmem>>
    %dma_wait3A_68 = tpu.memref_squeeze %dma_wait3A_67 : memref<1x80xi32, #tpu.memory_space<vmem>> -> memref<80xi32, #tpu.memory_space<vmem>>
    %dma_wait3A_69 = arith.constant 0 : i32
    %dma_wait3A_70 = arith.constant 0 : i32
    %dma_wait3A_71 = tpu.memref_slice %arg7[%dma_wait3A_69, %dma_wait3A_70] : memref<10240x128xf32, #tpu.memory_space<vmem_shared>> -> memref<10240x128xf32, #tpu.memory_space<vmem_shared>>
    tpu.wait_indirect_dma semaphore(%arg15 : memref<!tpu.dma_semaphore, #tpu.memory_space<semaphore_mem>>) src(%arg10 : memref<80x128xf32, #tpu.memory_space<vmem>>) dst(%dma_wait3A_71 : memref<10240x128xf32, #tpu.memory_space<vmem_shared>>)
    %scan3A_72 = arith.constant 0 : i32
    %scan3A_73 = arith.constant 0 : i32
    %scan3A_74 = arith.constant 125 : i32
    %scan3A_75 = arith.addi %scan3A_73, %scan3A_74 : i32
    %scan3A_76 = arith.constant 1 : i32
    %scan3A_77 = scf.for %scan3A_80 = %scan3A_73 to %scan3A_75 step %scan3A_76 iter_args(%scan3A_81 = %scan3A_72) -> (i32)  : i32 {
      %dma_wait3A_82 = arith.constant 0 : i32
      %dma_wait3A_83 = arith.constant 0 : i32
      %dma_wait3A_84 = tpu.memref_slice %arg9[%dma_wait3A_82, %dma_wait3A_83] : memref<125x80xi32, #tpu.memory_space<vmem>> -> memref<1x80xi32, #tpu.memory_space<vmem>>
      %dma_wait3A_85 = tpu.memref_squeeze %dma_wait3A_84 : memref<1x80xi32, #tpu.memory_space<vmem>> -> memref<80xi32, #tpu.memory_space<vmem>>
      %dma_wait3A_86 = arith.constant 0 : i32
      %dma_wait3A_87 = tpu.memref_slice %arg16[%dma_wait3A_86] : memref<10240xf32, #tpu.memory_space<vmem_shared>> -> memref<10240xf32, #tpu.memory_space<vmem_shared>>
      tpu.wait_indirect_dma semaphore(%arg19 : memref<!tpu.dma_semaphore, #tpu.memory_space<semaphore_mem>>) src(%arg18 : memref<80xf32, #tpu.memory_space<vmem>>) dst(%dma_wait3A_87 : memref<10240xf32, #tpu.memory_space<vmem_shared>>)
      %scan3A_88 = arith.constant 0 : i32
      scf.yield %scan3A_88 : i32
    }
    %scan3A_78 = arith.constant 125 : i32
    %barrier3A_79 = arith.constant 0 : index
    tpu.barrier barrier_id(%barrier3A_79)
    "tpu.region"() ({
      %run_scoped3A = tpu.sem_alloc : memref<!tpu.dma_semaphore, #tpu.memory_space<semaphore_mem>>
      %dma_start3A_80 = arith.constant 0 : i32
      %dma_start3A_81 = arith.constant 0 : i32
      %dma_start3A_82 = tpu.memref_slice %arg5[%arg0, %dma_start3A_80, %dma_start3A_81] : memref<2x10240x128xf32, #tpu.memory_space<hbm>> -> memref<1x10240x128xf32, #tpu.memory_space<hbm>>
      %dma_start3A_83 = tpu.memref_squeeze %dma_start3A_82 : memref<1x10240x128xf32, #tpu.memory_space<hbm>> -> memref<10240x128xf32, #tpu.memory_space<hbm>>
      %dma_start3A_84 = arith.constant 0 : i32
      %dma_start3A_85 = tpu.memref_slice %dma_start3A_83[%multiple_of3A, %dma_start3A_84] : memref<10240x128xf32, #tpu.memory_space<hbm>> -> memref<640x128xf32, #tpu.memory_space<hbm>>
      %dma_start3A_86 = arith.constant 0 : i32
      %dma_start3A_87 = tpu.memref_slice %arg7[%multiple_of3A, %dma_start3A_86] : memref<10240x128xf32, #tpu.memory_space<vmem_shared>> -> memref<640x128xf32, #tpu.memory_space<vmem_shared>>
      tpu.enqueue_dma source(%dma_start3A_87 : memref<640x128xf32, #tpu.memory_space<vmem_shared>>) target(%dma_start3A_85 : memref<640x128xf32, #tpu.memory_space<hbm>>) target_semaphore(%run_scoped3A : memref<!tpu.dma_semaphore, #tpu.memory_space<semaphore_mem>>)
      %dma_wait3A_88 = arith.constant 0 : i32
      %dma_wait3A_89 = arith.constant 0 : i32
      %dma_wait3A_90 = tpu.memref_slice %arg5[%arg0, %dma_wait3A_88, %dma_wait3A_89] : memref<2x10240x128xf32, #tpu.memory_space<hbm>> -> memref<1x10240x128xf32, #tpu.memory_space<hbm>>
      %dma_wait3A_91 = tpu.memref_squeeze %dma_wait3A_90 : memref<1x10240x128xf32, #tpu.memory_space<hbm>> -> memref<10240x128xf32, #tpu.memory_space<hbm>>
      %dma_wait3A_92 = arith.constant 0 : i32
      %dma_wait3A_93 = tpu.memref_slice %dma_wait3A_91[%multiple_of3A, %dma_wait3A_92] : memref<10240x128xf32, #tpu.memory_space<hbm>> -> memref<640x128xf32, #tpu.memory_space<hbm>>
      %dma_wait3A_94 = arith.constant 0 : i32
      %dma_wait3A_95 = tpu.memref_slice %arg7[%multiple_of3A, %dma_wait3A_94] : memref<10240x128xf32, #tpu.memory_space<vmem_shared>> -> memref<640x128xf32, #tpu.memory_space<vmem_shared>>
      tpu.wait_dma2 semaphore(%run_scoped3A : memref<!tpu.dma_semaphore, #tpu.memory_space<semaphore_mem>>) src(%dma_wait3A_95 : memref<640x128xf32, #tpu.memory_space<vmem_shared>>) dst(%dma_wait3A_93 : memref<640x128xf32, #tpu.memory_space<hbm>>)
      tpu.yield
    }) : () -> ()
    "tpu.region"() ({
      %run_scoped3A = tpu.sem_alloc : memref<!tpu.dma_semaphore, #tpu.memory_space<semaphore_mem>>
      %dma_start3A_80 = tpu.memref_slice %arg16[%multiple_of3A] : memref<10240xf32, #tpu.memory_space<vmem_shared>> -> memref<640xf32, #tpu.memory_space<vmem_shared>>
      %dma_start3A_81 = tpu.memref_slice %arg16[%multiple_of3A] : memref<10240xf32, #tpu.memory_space<vmem_shared>> -> memref<640xf32, #tpu.memory_space<vmem_shared>>
      tpu.enqueue_dma source(%dma_start3A_81 : memref<640xf32, #tpu.memory_space<vmem_shared>>) target(%arg17 : memref<640xf32, #tpu.memory_space<vmem>>) target_semaphore(%run_scoped3A : memref<!tpu.dma_semaphore, #tpu.memory_space<semaphore_mem>>)
      %dma_wait3A_82 = tpu.memref_slice %arg16[%multiple_of3A] : memref<10240xf32, #tpu.memory_space<vmem_shared>> -> memref<640xf32, #tpu.memory_space<vmem_shared>>
      %dma_wait3A_83 = tpu.memref_slice %arg16[%multiple_of3A] : memref<10240xf32, #tpu.memory_space<vmem_shared>> -> memref<640xf32, #tpu.memory_space<vmem_shared>>
      tpu.wait_dma2 semaphore(%run_scoped3A : memref<!tpu.dma_semaphore, #tpu.memory_space<semaphore_mem>>) src(%dma_wait3A_83 : memref<640xf32, #tpu.memory_space<vmem_shared>>) dst(%arg17 : memref<640xf32, #tpu.memory_space<vmem>>)
      tpu.yield
    }) : () -> ()
    "tpu.region"() ({
      %run_scoped3A = tpu.sem_alloc : memref<!tpu.dma_semaphore, #tpu.memory_space<semaphore_mem>>
      %dma_start3A_80 = arith.constant 0 : i32
      %dma_start3A_81 = tpu.memref_slice %arg6[%arg0, %dma_start3A_80] : memref<2x10240xf32, #tpu.memory_space<hbm>> -> memref<1x10240xf32, #tpu.memory_space<hbm>>
      %dma_start3A_82 = tpu.memref_squeeze %dma_start3A_81 : memref<1x10240xf32, #tpu.memory_space<hbm>> -> memref<10240xf32, #tpu.memory_space<hbm>>
      %dma_start3A_83 = tpu.memref_slice %dma_start3A_82[%multiple_of3A] : memref<10240xf32, #tpu.memory_space<hbm>> -> memref<640xf32, #tpu.memory_space<hbm>>
      %dma_start3A_84 = arith.constant 0 : i32
      %dma_start3A_85 = tpu.memref_slice %arg6[%arg0, %dma_start3A_84] : memref<2x10240xf32, #tpu.memory_space<hbm>> -> memref<1x10240xf32, #tpu.memory_space<hbm>>
      %dma_start3A_86 = tpu.memref_squeeze %dma_start3A_85 : memref<1x10240xf32, #tpu.memory_space<hbm>> -> memref<10240xf32, #tpu.memory_space<hbm>>
      %dma_start3A_87 = tpu.memref_slice %dma_start3A_86[%multiple_of3A] : memref<10240xf32, #tpu.memory_space<hbm>> -> memref<640xf32, #tpu.memory_space<hbm>>
      tpu.enqueue_dma source(%arg17 : memref<640xf32, #tpu.memory_space<vmem>>) target(%dma_start3A_87 : memref<640xf32, #tpu.memory_space<hbm>>) target_semaphore(%run_scoped3A : memref<!tpu.dma_semaphore, #tpu.memory_space<semaphore_mem>>)
      %dma_wait3A_88 = arith.constant 0 : i32
      %dma_wait3A_89 = tpu.memref_slice %arg6[%arg0, %dma_wait3A_88] : memref<2x10240xf32, #tpu.memory_space<hbm>> -> memref<1x10240xf32, #tpu.memory_space<hbm>>
      %dma_wait3A_90 = tpu.memref_squeeze %dma_wait3A_89 : memref<1x10240xf32, #tpu.memory_space<hbm>> -> memref<10240xf32, #tpu.memory_space<hbm>>
      %dma_wait3A_91 = tpu.memref_slice %dma_wait3A_90[%multiple_of3A] : memref<10240xf32, #tpu.memory_space<hbm>> -> memref<640xf32, #tpu.memory_space<hbm>>
      %dma_wait3A_92 = arith.constant 0 : i32
      %dma_wait3A_93 = tpu.memref_slice %arg6[%arg0, %dma_wait3A_92] : memref<2x10240xf32, #tpu.memory_space<hbm>> -> memref<1x10240xf32, #tpu.memory_space<hbm>>
      %dma_wait3A_94 = tpu.memref_squeeze %dma_wait3A_93 : memref<1x10240xf32, #tpu.memory_space<hbm>> -> memref<10240xf32, #tpu.memory_space<hbm>>
      %dma_wait3A_95 = tpu.memref_slice %dma_wait3A_94[%multiple_of3A] : memref<10240xf32, #tpu.memory_space<hbm>> -> memref<640xf32, #tpu.memory_space<hbm>>
      tpu.wait_dma2 semaphore(%run_scoped3A : memref<!tpu.dma_semaphore, #tpu.memory_space<semaphore_mem>>) src(%arg17 : memref<640xf32, #tpu.memory_space<vmem>>) dst(%dma_wait3A_95 : memref<640xf32, #tpu.memory_space<hbm>>)
      tpu.yield
    }) : () -> ()
    return
  }
}

module attributes {stable_mosaic.version = 14 : i64} {
  func.func @body(%arg0: i32, %arg1: memref<1024x128xf32, #tpu.memory_space<vmem>>, %arg2: memref<128x128xf32, #tpu.memory_space<vmem>>, %arg3: memref<1024x128xf32, #tpu.memory_space<vmem>>) attributes {dimension_semantics = [#tpu.dimension_semantics<arbitrary>], iteration_bounds = array<i64: 10>, scalar_prefetch = 0 : i64, scratch_operands = 0 : i64, tpu.core_type = #tpu.core_type<tc>, window_params = [{transform_indices = @transform_0, window_bounds = array<i64: 1024, 128>}, {pipeline_mode = #tpu.pipeline_mode<synchronous>, transform_indices = @transform_1, window_bounds = array<i64: 128, 128>}, {transform_indices = @transform_2, window_bounds = array<i64: 1024, 128>}]} {
    %get3A = arith.constant 0 : index
    %get3A_0 = arith.constant 0 : index
    %get3A_1 = vector.load %arg1[%get3A, %get3A_0] : memref<1024x128xf32, #tpu.memory_space<vmem>>, vector<1024x128xf32>
    %get3A_2 = arith.constant 0 : index
    %get3A_3 = arith.constant 0 : index
    %get3A_4 = vector.load %arg2[%get3A_2, %get3A_3] : memref<128x128xf32, #tpu.memory_space<vmem>>, vector<128x128xf32>
    %dot_general3A = arith.constant dense<0.000000e+00> : vector<1024x128xf32>
    %dot_general3A_5 = tpu.matmul %get3A_1, %get3A_4, %dot_general3A {dimension_numbers = #tpu.dot_dimension_numbers<[1], [1], [0], [0], [0, 0, 1, 0], [], []>, transpose_lhs_hint = false} : vector<1024x128xf32>, vector<128x128xf32>, vector<1024x128xf32> -> vector<1024x128xf32>
    %swap3A = arith.constant 0 : index
    %swap3A_6 = arith.constant 0 : index
    %swap3A_7 = vector.load %arg3[%swap3A, %swap3A_6] : memref<1024x128xf32, #tpu.memory_space<vmem>>, vector<1024x128xf32>
    tpu.vector_store %arg3[%swap3A, %swap3A_6], %dot_general3A_5 {strides = array<i32>} : memref<1024x128xf32, #tpu.memory_space<vmem>>, vector<1024x128xf32>,
    return
  }
  func.func @transform_0(%arg0: i32) -> (i32, i32) {
    %c0_i32 = arith.constant 0 : i32
    %c0_i32_0 = arith.constant 0 : i32
    return %arg0, %c0_i32 : i32, i32
  }
  func.func @transform_1(%arg0: i32) -> (i32, i32) {
    %c0_i32 = arith.constant 0 : i32
    %c0_i32_0 = arith.constant 0 : i32
    %c0_i32_1 = arith.constant 0 : i32
    return %c0_i32, %c0_i32_0 : i32, i32
  }
  func.func @transform_2(%arg0: i32) -> (i32, i32) {
    %c0_i32 = arith.constant 0 : i32
    %c0_i32_0 = arith.constant 0 : i32
    return %arg0, %c0_i32 : i32, i32
  }
}

module attributes {stable_mosaic.version = 14 : i64} {
  func.func @body(%arg0: i32, %arg1: memref<2x1024x128xf32, #tpu.memory_space<vmem>>, %arg2: memref<2x1024xf32, #tpu.memory_space<vmem>>, %arg3: memref<1024x128xf32, #tpu.memory_space<vmem>>, %arg4: memref<128x128xf32, #tpu.memory_space<vmem>>, %arg5: memref<1x128xf32, #tpu.memory_space<vmem>>, %arg6: memref<1024x128xf32, #tpu.memory_space<vmem>>) attributes {dimension_semantics = [#tpu.dimension_semantics<arbitrary>], iteration_bounds = array<i64: 10>, scalar_prefetch = 0 : i64, scratch_operands = 0 : i64, tpu.core_type = #tpu.core_type<tc>, window_params = [{transform_indices = @transform_0, window_bounds = array<i64: 2, 1024, 128>}, {transform_indices = @transform_1, window_bounds = array<i64: 2, 1024>}, {transform_indices = @transform_2, window_bounds = array<i64: 1024, 128>}, {pipeline_mode = #tpu.pipeline_mode<synchronous>, transform_indices = @transform_3, window_bounds = array<i64: 128, 128>}, {pipeline_mode = #tpu.pipeline_mode<synchronous>, transform_indices = @transform_4, window_bounds = array<i64: 1, 128>}, {transform_indices = @transform_5, window_bounds = array<i64: 1024, 128>}]} {
    %get3A = arith.constant 0 : index
    %get3A_0 = arith.constant 0 : index
    %get3A_1 = arith.constant 0 : index
    %get3A_2 = vector.load %arg1[%get3A, %get3A_0, %get3A_1] : memref<2x1024x128xf32, #tpu.memory_space<vmem>>, vector<1x1024x128xf32>
    %get3A_3 = vector.shape_cast %get3A_2 : vector<1x1024x128xf32> to vector<1024x128xf32>
    %get3A_4 = arith.constant 1 : index
    %get3A_5 = arith.constant 0 : index
    %get3A_6 = arith.constant 0 : index
    %get3A_7 = vector.load %arg1[%get3A_4, %get3A_5, %get3A_6] : memref<2x1024x128xf32, #tpu.memory_space<vmem>>, vector<1x1024x128xf32>
    %get3A_8 = vector.shape_cast %get3A_7 : vector<1x1024x128xf32> to vector<1024x128xf32>
    %add3A = arith.addf %get3A_3, %get3A_8 : vector<1024x128xf32>
    %get3A_9 = arith.constant 0 : index
    %get3A_10 = arith.constant 0 : index
    %get3A_11 = vector.load %arg2[%get3A_9, %get3A_10] : memref<2x1024xf32, #tpu.memory_space<vmem>>, vector<1x1024xf32>
    %get3A_12 = vector.shape_cast %get3A_11 : vector<1x1024xf32> to vector<1024xf32>
    %get3A_13 = arith.constant 1 : index
    %get3A_14 = arith.constant 0 : index
    %get3A_15 = vector.load %arg2[%get3A_13, %get3A_14] : memref<2x1024xf32, #tpu.memory_space<vmem>>, vector<1x1024xf32>
    %get3A_16 = vector.shape_cast %get3A_15 : vector<1x1024xf32> to vector<1024xf32>
    %add3A_17 = arith.addf %get3A_12, %get3A_16 : vector<1024xf32>
    %max3A = arith.constant 1.000000e+00 : f32
    %max3A_18 = vector.broadcast %max3A : f32 to vector<1024xf32>
    %max3A_19 = arith.maximumf %add3A_17, %max3A_18 : vector<1024xf32>
    %div3A = arith.constant 1.000000e+00 : f32
    %div3A_20 = vector.broadcast %div3A : f32 to vector<1024xf32>
    %div3A_21 = arith.divf %div3A_20, %max3A_19 : vector<1024xf32>
    %broadcast_in_dim3A = vector.shape_cast %div3A_21 : vector<1024xf32> to vector<1024x1xf32>
    %mul3A = vector.broadcast %broadcast_in_dim3A : vector<1024x1xf32> to vector<1024x128xf32>
    %mul3A_22 = arith.mulf %add3A, %mul3A : vector<1024x128xf32>
    %get3A_23 = arith.constant 0 : index
    %get3A_24 = arith.constant 0 : index
    %get3A_25 = vector.load %arg4[%get3A_23, %get3A_24] : memref<128x128xf32, #tpu.memory_space<vmem>>, vector<128x128xf32>
    %dot_general3A = arith.constant dense<0.000000e+00> : vector<1024x128xf32>
    %dot_general3A_26 = tpu.matmul %mul3A_22, %get3A_25, %dot_general3A {dimension_numbers = #tpu.dot_dimension_numbers<[1], [1], [0], [0], [0, 0, 1, 0], [], []>, transpose_lhs_hint = false} : vector<1024x128xf32>, vector<128x128xf32>, vector<1024x128xf32> -> vector<1024x128xf32>
    %get3A_27 = arith.constant 0 : index
    %get3A_28 = arith.constant 0 : index
    %get3A_29 = vector.load %arg5[%get3A_27, %get3A_28] : memref<1x128xf32, #tpu.memory_space<vmem>>, vector<1x128xf32>
    %add3A_30 = vector.broadcast %get3A_29 : vector<1x128xf32> to vector<1024x128xf32>
    %add3A_31 = arith.addf %dot_general3A_26, %add3A_30 : vector<1024x128xf32>
    %get3A_32 = arith.constant 0 : index
    %get3A_33 = arith.constant 0 : index
    %get3A_34 = vector.load %arg3[%get3A_32, %get3A_33] : memref<1024x128xf32, #tpu.memory_space<vmem>>, vector<1024x128xf32>
    %add3A_35 = arith.addf %add3A_31, %get3A_34 : vector<1024x128xf32>
    %max3A_36 = arith.constant 0.000000e+00 : f32
    %max3A_37 = vector.broadcast %max3A_36 : f32 to vector<1024x128xf32>
    %max3A_38 = arith.maximumf %add3A_35, %max3A_37 : vector<1024x128xf32>
    %swap3A = arith.constant 0 : index
    %swap3A_39 = arith.constant 0 : index
    %swap3A_40 = vector.load %arg6[%swap3A, %swap3A_39] : memref<1024x128xf32, #tpu.memory_space<vmem>>, vector<1024x128xf32>
    tpu.vector_store %arg6[%swap3A, %swap3A_39], %max3A_38 {strides = array<i32>} : memref<1024x128xf32, #tpu.memory_space<vmem>>, vector<1024x128xf32>,
    return
  }
  func.func @transform_0(%arg0: i32) -> (i32, i32, i32) {
    %c0_i32 = arith.constant 0 : i32
    %c0_i32_0 = arith.constant 0 : i32
    %c0_i32_1 = arith.constant 0 : i32
    return %c0_i32, %arg0, %c0_i32_0 : i32, i32, i32
  }
  func.func @transform_1(%arg0: i32) -> (i32, i32) {
    %c0_i32 = arith.constant 0 : i32
    %c0_i32_0 = arith.constant 0 : i32
    return %c0_i32, %arg0 : i32, i32
  }
  func.func @transform_2(%arg0: i32) -> (i32, i32) {
    %c0_i32 = arith.constant 0 : i32
    %c0_i32_0 = arith.constant 0 : i32
    return %arg0, %c0_i32 : i32, i32
  }
  func.func @transform_3(%arg0: i32) -> (i32, i32) {
    %c0_i32 = arith.constant 0 : i32
    %c0_i32_0 = arith.constant 0 : i32
    %c0_i32_1 = arith.constant 0 : i32
    return %c0_i32, %c0_i32_0 : i32, i32
  }
  func.func @transform_4(%arg0: i32) -> (i32, i32) {
    %c0_i32 = arith.constant 0 : i32
    %c0_i32_0 = arith.constant 0 : i32
    %c0_i32_1 = arith.constant 0 : i32
    return %c0_i32, %c0_i32_0 : i32, i32
  }
  func.func @transform_5(%arg0: i32) -> (i32, i32) {
    %c0_i32 = arith.constant 0 : i32
    %c0_i32_0 = arith.constant 0 : i32
    return %arg0, %c0_i32 : i32, i32
  }
}

module attributes {stable_mosaic.version = 14 : i64} {
  func.func @body(%arg0: i32, %arg1: memref<2x1024x128xf32, #tpu.memory_space<vmem>>, %arg2: memref<2x1024xf32, #tpu.memory_space<vmem>>, %arg3: memref<1024x128xf32, #tpu.memory_space<vmem>>, %arg4: memref<128x128xf32, #tpu.memory_space<vmem>>, %arg5: memref<1x128xf32, #tpu.memory_space<vmem>>, %arg6: memref<128x128xf32, #tpu.memory_space<vmem>>, %arg7: memref<1x128xf32, #tpu.memory_space<vmem>>, %arg8: memref<128x128xf32, #tpu.memory_space<vmem>>, %arg9: memref<1x128xf32, #tpu.memory_space<vmem>>, %arg10: memref<1024x128xf32, #tpu.memory_space<vmem>>) attributes {dimension_semantics = [#tpu.dimension_semantics<arbitrary>], iteration_bounds = array<i64: 10>, scalar_prefetch = 0 : i64, scratch_operands = 0 : i64, tpu.core_type = #tpu.core_type<tc>, window_params = [{transform_indices = @transform_0, window_bounds = array<i64: 2, 1024, 128>}, {transform_indices = @transform_1, window_bounds = array<i64: 2, 1024>}, {transform_indices = @transform_2, window_bounds = array<i64: 1024, 128>}, {pipeline_mode = #tpu.pipeline_mode<synchronous>, transform_indices = @transform_3, window_bounds = array<i64: 128, 128>}, {pipeline_mode = #tpu.pipeline_mode<synchronous>, transform_indices = @transform_4, window_bounds = array<i64: 1, 128>}, {pipeline_mode = #tpu.pipeline_mode<synchronous>, transform_indices = @transform_5, window_bounds = array<i64: 128, 128>}, {pipeline_mode = #tpu.pipeline_mode<synchronous>, transform_indices = @transform_6, window_bounds = array<i64: 1, 128>}, {pipeline_mode = #tpu.pipeline_mode<synchronous>, transform_indices = @transform_7, window_bounds = array<i64: 128, 128>}, {pipeline_mode = #tpu.pipeline_mode<synchronous>, transform_indices = @transform_8, window_bounds = array<i64: 1, 128>}, {transform_indices = @transform_9, window_bounds = array<i64: 1024, 128>}]} {
    %get3A = arith.constant 0 : index
    %get3A_0 = arith.constant 0 : index
    %get3A_1 = arith.constant 0 : index
    %get3A_2 = vector.load %arg1[%get3A, %get3A_0, %get3A_1] : memref<2x1024x128xf32, #tpu.memory_space<vmem>>, vector<1x1024x128xf32>
    %get3A_3 = vector.shape_cast %get3A_2 : vector<1x1024x128xf32> to vector<1024x128xf32>
    %get3A_4 = arith.constant 1 : index
    %get3A_5 = arith.constant 0 : index
    %get3A_6 = arith.constant 0 : index
    %get3A_7 = vector.load %arg1[%get3A_4, %get3A_5, %get3A_6] : memref<2x1024x128xf32, #tpu.memory_space<vmem>>, vector<1x1024x128xf32>
    %get3A_8 = vector.shape_cast %get3A_7 : vector<1x1024x128xf32> to vector<1024x128xf32>
    %add3A = arith.addf %get3A_3, %get3A_8 : vector<1024x128xf32>
    %get3A_9 = arith.constant 0 : index
    %get3A_10 = arith.constant 0 : index
    %get3A_11 = vector.load %arg2[%get3A_9, %get3A_10] : memref<2x1024xf32, #tpu.memory_space<vmem>>, vector<1x1024xf32>
    %get3A_12 = vector.shape_cast %get3A_11 : vector<1x1024xf32> to vector<1024xf32>
    %get3A_13 = arith.constant 1 : index
    %get3A_14 = arith.constant 0 : index
    %get3A_15 = vector.load %arg2[%get3A_13, %get3A_14] : memref<2x1024xf32, #tpu.memory_space<vmem>>, vector<1x1024xf32>
    %get3A_16 = vector.shape_cast %get3A_15 : vector<1x1024xf32> to vector<1024xf32>
    %add3A_17 = arith.addf %get3A_12, %get3A_16 : vector<1024xf32>
    %max3A = arith.constant 1.000000e+00 : f32
    %max3A_18 = vector.broadcast %max3A : f32 to vector<1024xf32>
    %max3A_19 = arith.maximumf %add3A_17, %max3A_18 : vector<1024xf32>
    %div3A = arith.constant 1.000000e+00 : f32
    %div3A_20 = vector.broadcast %div3A : f32 to vector<1024xf32>
    %div3A_21 = arith.divf %div3A_20, %max3A_19 : vector<1024xf32>
    %broadcast_in_dim3A = vector.shape_cast %div3A_21 : vector<1024xf32> to vector<1024x1xf32>
    %mul3A = vector.broadcast %broadcast_in_dim3A : vector<1024x1xf32> to vector<1024x128xf32>
    %mul3A_22 = arith.mulf %add3A, %mul3A : vector<1024x128xf32>
    %get3A_23 = arith.constant 0 : index
    %get3A_24 = arith.constant 0 : index
    %get3A_25 = vector.load %arg4[%get3A_23, %get3A_24] : memref<128x128xf32, #tpu.memory_space<vmem>>, vector<128x128xf32>
    %dot_general3A = arith.constant dense<0.000000e+00> : vector<1024x128xf32>
    %dot_general3A_26 = tpu.matmul %mul3A_22, %get3A_25, %dot_general3A {dimension_numbers = #tpu.dot_dimension_numbers<[1], [1], [0], [0], [0, 0, 1, 0], [], []>, transpose_lhs_hint = false} : vector<1024x128xf32>, vector<128x128xf32>, vector<1024x128xf32> -> vector<1024x128xf32>
    %get3A_27 = arith.constant 0 : index
    %get3A_28 = arith.constant 0 : index
    %get3A_29 = vector.load %arg5[%get3A_27, %get3A_28] : memref<1x128xf32, #tpu.memory_space<vmem>>, vector<1x128xf32>
    %add3A_30 = vector.broadcast %get3A_29 : vector<1x128xf32> to vector<1024x128xf32>
    %add3A_31 = arith.addf %dot_general3A_26, %add3A_30 : vector<1024x128xf32>
    %get3A_32 = arith.constant 0 : index
    %get3A_33 = arith.constant 0 : index
    %get3A_34 = vector.load %arg3[%get3A_32, %get3A_33] : memref<1024x128xf32, #tpu.memory_space<vmem>>, vector<1024x128xf32>
    %add3A_35 = arith.addf %add3A_31, %get3A_34 : vector<1024x128xf32>
    %max3A_36 = arith.constant 0.000000e+00 : f32
    %max3A_37 = vector.broadcast %max3A_36 : f32 to vector<1024x128xf32>
    %max3A_38 = arith.maximumf %add3A_35, %max3A_37 : vector<1024x128xf32>
    %get3A_39 = arith.constant 0 : index
    %get3A_40 = arith.constant 0 : index
    %get3A_41 = vector.load %arg6[%get3A_39, %get3A_40] : memref<128x128xf32, #tpu.memory_space<vmem>>, vector<128x128xf32>
    %dot_general3A_42 = arith.constant dense<0.000000e+00> : vector<1024x128xf32>
    %dot_general3A_43 = tpu.matmul %max3A_38, %get3A_41, %dot_general3A_42 {dimension_numbers = #tpu.dot_dimension_numbers<[1], [1], [0], [0], [0, 0, 1, 0], [], []>, transpose_lhs_hint = false} : vector<1024x128xf32>, vector<128x128xf32>, vector<1024x128xf32> -> vector<1024x128xf32>
    %get3A_44 = arith.constant 0 : index
    %get3A_45 = arith.constant 0 : index
    %get3A_46 = vector.load %arg7[%get3A_44, %get3A_45] : memref<1x128xf32, #tpu.memory_space<vmem>>, vector<1x128xf32>
    %add3A_47 = vector.broadcast %get3A_46 : vector<1x128xf32> to vector<1024x128xf32>
    %add3A_48 = arith.addf %dot_general3A_43, %add3A_47 : vector<1024x128xf32>
    %max3A_49 = arith.constant 0.000000e+00 : f32
    %max3A_50 = vector.broadcast %max3A_49 : f32 to vector<1024x128xf32>
    %max3A_51 = arith.maximumf %add3A_48, %max3A_50 : vector<1024x128xf32>
    %get3A_52 = arith.constant 0 : index
    %get3A_53 = arith.constant 0 : index
    %get3A_54 = vector.load %arg8[%get3A_52, %get3A_53] : memref<128x128xf32, #tpu.memory_space<vmem>>, vector<128x128xf32>
    %dot_general3A_55 = arith.constant dense<0.000000e+00> : vector<1024x128xf32>
    %dot_general3A_56 = tpu.matmul %max3A_51, %get3A_54, %dot_general3A_55 {dimension_numbers = #tpu.dot_dimension_numbers<[1], [1], [0], [0], [0, 0, 1, 0], [], []>, transpose_lhs_hint = false} : vector<1024x128xf32>, vector<128x128xf32>, vector<1024x128xf32> -> vector<1024x128xf32>
    %get3A_57 = arith.constant 0 : index
    %get3A_58 = arith.constant 0 : index
    %get3A_59 = vector.load %arg9[%get3A_57, %get3A_58] : memref<1x128xf32, #tpu.memory_space<vmem>>, vector<1x128xf32>
    %add3A_60 = vector.broadcast %get3A_59 : vector<1x128xf32> to vector<1024x128xf32>
    %add3A_61 = arith.addf %dot_general3A_56, %add3A_60 : vector<1024x128xf32>
    %swap3A = arith.constant 0 : index
    %swap3A_62 = arith.constant 0 : index
    %swap3A_63 = vector.load %arg10[%swap3A, %swap3A_62] : memref<1024x128xf32, #tpu.memory_space<vmem>>, vector<1024x128xf32>
    tpu.vector_store %arg10[%swap3A, %swap3A_62], %add3A_61 {strides = array<i32>} : memref<1024x128xf32, #tpu.memory_space<vmem>>, vector<1024x128xf32>,
    return
  }
  func.func @transform_0(%arg0: i32) -> (i32, i32, i32) {
    %c0_i32 = arith.constant 0 : i32
    %c0_i32_0 = arith.constant 0 : i32
    %c0_i32_1 = arith.constant 0 : i32
    return %c0_i32, %arg0, %c0_i32_0 : i32, i32, i32
  }
  func.func @transform_1(%arg0: i32) -> (i32, i32) {
    %c0_i32 = arith.constant 0 : i32
    %c0_i32_0 = arith.constant 0 : i32
    return %c0_i32, %arg0 : i32, i32
  }
  func.func @transform_2(%arg0: i32) -> (i32, i32) {
    %c0_i32 = arith.constant 0 : i32
    %c0_i32_0 = arith.constant 0 : i32
    return %arg0, %c0_i32 : i32, i32
  }
  func.func @transform_3(%arg0: i32) -> (i32, i32) {
    %c0_i32 = arith.constant 0 : i32
    %c0_i32_0 = arith.constant 0 : i32
    %c0_i32_1 = arith.constant 0 : i32
    return %c0_i32, %c0_i32_0 : i32, i32
  }
  func.func @transform_4(%arg0: i32) -> (i32, i32) {
    %c0_i32 = arith.constant 0 : i32
    %c0_i32_0 = arith.constant 0 : i32
    %c0_i32_1 = arith.constant 0 : i32
    return %c0_i32, %c0_i32_0 : i32, i32
  }
  func.func @transform_5(%arg0: i32) -> (i32, i32) {
    %c0_i32 = arith.constant 0 : i32
    %c0_i32_0 = arith.constant 0 : i32
    %c0_i32_1 = arith.constant 0 : i32
    return %c0_i32, %c0_i32_0 : i32, i32
  }
  func.func @transform_6(%arg0: i32) -> (i32, i32) {
    %c0_i32 = arith.constant 0 : i32
    %c0_i32_0 = arith.constant 0 : i32
    %c0_i32_1 = arith.constant 0 : i32
    return %c0_i32, %c0_i32_0 : i32, i32
  }
  func.func @transform_7(%arg0: i32) -> (i32, i32) {
    %c0_i32 = arith.constant 0 : i32
    %c0_i32_0 = arith.constant 0 : i32
    %c0_i32_1 = arith.constant 0 : i32
    return %c0_i32, %c0_i32_0 : i32, i32
  }
  func.func @transform_8(%arg0: i32) -> (i32, i32) {
    %c0_i32 = arith.constant 0 : i32
    %c0_i32_0 = arith.constant 0 : i32
    %c0_i32_1 = arith.constant 0 : i32
    return %c0_i32, %c0_i32_0 : i32, i32
  }
  func.func @transform_9(%arg0: i32) -> (i32, i32) {
    %c0_i32 = arith.constant 0 : i32
    %c0_i32_0 = arith.constant 0 : i32
    return %arg0, %c0_i32 : i32, i32
  }
}

</mosaic_0001>

<sc_bundles>
// kernel: kernel.11.cloned.1.call-start
scs
__scs_entry_jumppad:
0x0: {  	(pc) =	sbr.rel $0x88, $3  }
0x1: {  	(tag) =	ssettag $0x0;
	lr =	simm.s32 $0x1  }
0x2: {  	[smem:$0x3F95] =	sst lr;
	_ =	strace $0xD0000000  }
0x3: {  	_ = 	snop  }
0x4: {  	_ = 	snop  }
0x5: {  	_ = 	snop  }
0x6: {  	_ = 	snop  }
0x7: {  	_ = 	snop  }
__scs_overlays_trampoline_lowered:
0x8: {  	[smem:$0x3FA4] =	sst s0  }
0x9: {  	[smem:$0x3FA5] =	sst s1  }
0xa: {  	[smem:$0x3FA6] =	sst s2  }
0xb: {  	[smem:$0x3FA7] =	sst s3  }
0xc: {  	[smem:$0x3FA8] =	sst s4  }
0xd: {  	[smem:$0x3FA9] =	sst s5  }
0xe: {  	[smem:$0x3FAA] =	sst s6  }
0xf: {  	[smem:$0x3FAB] =	sst s7  }
0x10: {  	[smem:$0x3FAC] =	sst s8  }
0x11: {  	[smem:$0x3FAD] =	sst s9;
	s0 =	simm.s32 @!p0 $0x0  }
0x12: {  	s1 =	sld [smem:$0x3F93];
	s0 =	simm.s32 @p0 $0x1  }
0x13: {  	[smem:$0x3FAE] =	sst s0;
	s0 =	simm.s32 @!p1 $0x0  }
0x14: {  	s2 =	sld [smem:$0x3F92];
	s0 =	simm.s32 @p1 $0x1  }
0x15: {  	[smem:$0x3FAF] =	sst s0;
	s0 =	simm.s32 @!p2 $0x0  }
0x16: {  	s3 =	sld [smem:$0x3FDB];
	s0 =	simm.s32 @p2 $0x1  }
0x17: {  	s4 =	simm.s32 $0x1BF5;
	[smem:$0x3FB1] =	sst s0  }
0x18: {  	s0 =	sld [smem:$0x3F94];
	_ =	swait.ge [sflag:s4], $0x0  }
0x19: {  	s7 =	sld [smem:$0x3F95]  }
0x1a: {  	s8 =	sadd.s32 $0xFFFFE003, lr  }
0x1b: {  	s9 =	sadd.s32 $0xFFFFFEF7, lr;
	s5 =	simm.s32 $0xFFFFFFFF;
	p2 =	slt.u32 s8, $0xFFFFF086  }
0x1c: {  	p1 =	slt.u32 s9, $0xF7A;
	s5 =	simm.s32 @!p2 $0x0  }
0x1d: {  	s5 =	simm.s32 @p1 $0x1;
	p0 =	seq.s32 s7, s2  }
0x1e: {  	s7 =	smul.u32 @!p0 $0xF7A, s2;
	p2 =	seq.s32 @!p0 s5, $0x0  }
0x1f: {  	s9 =	smul.u32 $0xF7A, s1;
	s8 =	simm.s32 @!p0 $0x1BF5;
	p2 =	por !p2, p0  }
0x20: {  	[sflag:s8] =	ssyncset.s32 @!p0 $0xFFFFF086;
	s6 =	sadd.s32 @!p0 s3, s7;
	s7 =	simm.s32 @!p0 $0x108  }
0x21: {  	s3 =	sadd.s32 s3, s9;
	s6 =	sadd.s32 @!p0 $0x88, s6;
	s7 =	simm.s32 @p2 $0x1082  }
0x22: {  	[simem:s7], [sflag:s8] =	dma.local @!p0 [hbm:s6], $0xF7A  }
0x23: {  	s9 =	sor.u32 $0xD0000000, s2;
	s6 =	simm.s32 $0x108;
	_ =	swait.ge @!p0 [sflag:s8], $0x0  }
0x24: {  	s3 =	sadd.s32 $0x88, s3;
	s6 =	simm.s32 @!p1 $0x1082;
	[sflag:s4] =	ssyncset.s32 $0xFFFFF086  }
0x25: {  	[simem:s6], [sflag:s4] =	dma.local [hbm:s3], $0xF7A  }
0x26: {  	[smem:$0x3F95] =	sst s1;
	(tag) =	ssettag s2;
	_ =	strace s9  }
0x27: {  	s1 =	sld [smem:$0x3FA5]  }
0x28: {  	s2 =	sld [smem:$0x3FA6]  }
0x29: {  	s4 =	sld [smem:$0x3FA8]  }
0x2a: {  	p0 =	seq.s32 s5, $0x0;
	s5 =	sld [smem:$0x3FA9]  }
0x2b: {  	s6 =	sld [smem:$0x3FAA]  }
0x2c: {  	s7 =	sld [smem:$0x3FAB]  }
0x2d: {  	s3 =	simm.s32 $0x108;
	s8 =	sld [smem:$0x3FAC]  }
0x2e: {  	s3 =	simm.s32 @!p0 $0x1082;
	s9 =	sld [smem:$0x3FAD]  }
0x2f: {  	lr =	sadd.s32 s0, s3;
	s0 =	sld [smem:$0x3FA4]  }
0x30: {  	s3 =	sld [smem:$0x3FA7]  }
0x31: {  	[smem:$0x3FB0] =	sst s10  }
0x32: {  	s10 =	sld [smem:$0x3FAE];
	_ =	sdelay $0x3  }
0x33: {  	p0 =	seq.s32 s10, $0x1;
	s10 =	sld [smem:$0x3FB0];
	_ =	sdelay $0x3  }
0x34: {  	[smem:$0x3FB0] =	sst s10  }
0x35: {  	s10 =	sld [smem:$0x3FAF];
	_ =	sdelay $0x3  }
0x36: {  	p1 =	seq.s32 s10, $0x1;
	s10 =	sld [smem:$0x3FB0];
	_ =	sdelay $0x3  }
0x37: {  	[smem:$0x3FB0] =	sst s10  }
0x38: {  	s10 =	sld [smem:$0x3FB1]  }
0x39: {  	_ = 	snop;
	(pc) =	sbr.ind lr, $3  }
0x3a: {  	_ = 	snop  }
0x3b: {  	_ = 	snop  }
0x3c: {  	p2 =	seq.s32 s10, $0x1;
	s10 =	sld [smem:$0x3FB0]  }
0x3d: {  	_ =	shalt  }
0x3e: {  	_ =	shalt  }
0x3f: {  	_ =	shalt  }
0x40: {  	_ =	shalt  }
0x41: {  	_ =	shalt  }
0x42: {  	_ =	shalt  }
0x43: {  	_ =	shalt  }
0x44: {  	_ =	shalt  }
0x45: {  	_ =	shalt  }
0x46: {  	_ =	shalt  }
0x47: {  	_ =	shalt  }
0x48: {  	_ =	shalt  }
0x49: {  	_ =	shalt  }
0x4a: {  	_ =	shalt  }
0x4b: {  	_ =	shalt  }
0x4c: {  	_ =	shalt  }
0x4d: {  	_ =	shalt  }
0x4e: {  	_ =	shalt  }
0x4f: {  	_ =	shalt  }
0x50: {  	_ =	shalt  }
0x51: {  	_ =	shalt  }
0x52: {  	_ =	shalt  }
0x53: {  	_ =	shalt  }
0x54: {  	_ =	shalt  }
0x55: {  	_ =	shalt  }
0x56: {  	_ =	shalt  }
0x57: {  	_ =	shalt  }
0x58: {  	_ =	shalt  }
0x59: {  	_ =	shalt  }
0x5a: {  	_ =	shalt  }
0x5b: {  	_ =	shalt  }
0x5c: {  	_ =	shalt  }
0x5d: {  	_ =	shalt  }
0x5e: {  	_ =	shalt  }
0x5f: {  	_ =	shalt  }
0x60: {  	_ =	shalt  }
0x61: {  	_ =	shalt  }
0x62: {  	_ =	shalt  }
0x63: {  	_ =	shalt  }
0x64: {  	_ =	shalt  }
0x65: {  	_ =	shalt  }
0x66: {  	_ =	shalt  }
0x67: {  	_ =	shalt  }
0x68: {  	_ =	shalt  }
0x69: {  	_ =	shalt  }
0x6a: {  	_ =	shalt  }
0x6b: {  	_ =	shalt  }
0x6c: {  	_ =	shalt  }
0x6d: {  	_ =	shalt  }
0x6e: {  	_ =	shalt  }
0x6f: {  	_ =	shalt  }
0x70: {  	_ =	shalt  }
0x71: {  	_ =	shalt  }
0x72: {  	_ =	shalt  }
0x73: {  	_ =	shalt  }
0x74: {  	_ =	shalt  }
0x75: {  	_ =	shalt  }
0x76: {  	_ =	shalt  }
0x77: {  	_ =	shalt  }
0x78: {  	_ =	shalt  }
0x79: {  	_ =	shalt  }
0x7a: {  	_ =	shalt  }
0x7b: {  	_ =	shalt  }
0x7c: {  	_ =	shalt  }
0x7d: {  	_ =	shalt  }
0x7e: {  	_ =	shalt  }
0x7f: {  	_ =	shalt  }
0x80: {  	_ =	shalt  }
0x81: {  	_ =	shalt  }
0x82: {  	_ =	shalt  }
0x83: {  	_ =	shalt  }
0x84: {  	_ =	shalt  }
0x85: {  	_ =	shalt  }
0x86: {  	_ =	shalt  }
0x87: {  	_ =	shalt  }
.Lfunc_end0:
.L_simem_size_0:
called_computation.1_lowered:
.L_overlay_start_0:
0x88: {  	s2 =	sld [smem:$0x3FD9]  }
0x89: {  	s3 =	sld [smem:$0x3FFE];
	_ =	sdelay $0x1  }
0x8a: {  	s1 =	srdreg.scid  }
0x8b: {  	s0 =	sand.u32 $0x1, s1  }
0x8c: {  	s16 =	sshll.u32 s0, $0xA;
	s2 =	sadd.s32 s3, s2  }
0x8d: {  	s2 =	sadd.s32 s2, s16  }
0x8e: {  	[smem:$0x3FBC] =	sst s2  }
0x8f: {  	_ = 	snop  }
0x90: {  	(tm) =	ssettm $0x1  }
0x91: {  	s17 =	sld [smem:$0x3FFB];
	_ =	sdelay $0x3  }
0x92: {  	_ =	strace s17  }
0x93: {  	s2 =	sld [smem:$0x3FFC];
	_ =	sdelay $0x3  }
0x94: {  	_ =	strace s2  }
0x95: {  	s2 =	sld [smem:$0x3FFD];
	_ =	sdelay $0x3  }
0x96: {  	_ =	strace s2  }
0x97: {  	_ =	strace $0x8FFFFFFF  }
0x98: {  	s18 =	sld [smem:$0x3FDB];
	_ =	sdelay $0x1  }
0x99: {  	s19 =	simm.s32 $_scs_section_size  }
0x9a: {  	s4 =	simm.s32 $_size__tile_overlayer_lowered;
	s5 =	simm.s32 $_tile_overlayer_lowered  }
0x9b: {  	s22 =	simm.s32 $0x1BFF;
	s21 =	sshll.u32 s5, $0x1;
	s2 =	sadd.s32 s19, s18  }
0x9c: {  	s6 =	simm.s32 $0x0;
	s20 =	sshll.u32 s4, $0x1;
	s4 =	sadd.s32 s21, s2  }
0x9d: {  	[timem:s6], [sflag:s22] =	dma.local [hbm:s4], s20  }
0x9e: {  	_ =	swait.ge [sflag:s22], s20  }
0x9f: {  	s3 =	ssub.s32 $0x0, s20;
	[sflag:s22] =	ssyncset.done $0x0  }
0xa0: {  	[sflag:s22] =	ssyncadd.s32 s3;
	_ =	sdelay $0x1  }
0xa1: {  	s23 =	simm.s32 $0x1B8B  }
0xa2: {  	_ =	swait.ge [sflag:s23], $0x1  }
0xa3: {  	[sflag:s23] =	ssyncset.done $0x0  }
0xa4: {  	s25 =	simm.s32 $0x1B8E;
	s24 =	sld [smem:$0x3FFE];
	[sflag:s23] =	ssyncadd.s32 $0xFFFFFFFF  }
0xa5: {  	s26 =	simm.s32 $execute0_lowered;
	[smem:$0x3FD2] =	sst s25  }
0xa6: {  	s4 =	sshll.u32 s26, $0x1;
	_ =	strace $0x80000049;
	[dreg:$0x1] =	wrdreg $0xFFFFFFFF  }
0xa7: {  	s28 =	simm.s32 $_size_execute0_lowered;
	s2 =	sadd.s32 s2, s4;
	[dreg:$0x0] =	wrdreg $0x0  }
0xa8: {  	s4 =	sshll.u32 s28, $0x1;
	[dreg:$0x2] =	wrdreg s2  }
0xa9: {  	[dreg:$0x3] =	wrdreg s4  }
0xaa: {  	[dreg:$0x4] =	wrdreg $0xC0  }
0xab: {  	_ =	task [dreg:s6], $0x5FFFF  }
0xac: {  	[dreg:$0x1] =	wrdreg $0xFFFFFFFF  }
0xad: {  	[dreg:$0x0] =	wrdreg $0x60  }
0xae: {  	[dreg:$0x2] =	wrdreg s24  }
0xaf: {  	[dreg:$0x3] =	wrdreg $0x0  }
0xb0: {  	[dreg:$0x4] =	wrdreg $0x9  }
0xb1: {  	_ =	task.clear_ibuf [dreg:s6], $0x5FFFF;
	_ =	strace $0x90000049  }
0xb2: {  	s29 =	simm.s32 $0x9;
	_ =	strace $0x8000004B  }
0xb3: {  	_ =	swait.ge [sflag:s29], $0x1  }
0xb4: {  	[sflag:s29] =	ssyncadd.s32 $0xFFFFFFFF  }
0xb5: {  	_ =	strace $0x9000004B  }
0xb6: {  	_ =	sfence  }
0xb7: {  	s30 =	sld [smem:$0x0];
	_ =	sdelay $0x2  }
0xb8: {  	s31 =	sshll.u32 s1, $0xD;
	s1 =	sshrl.u32 s1, $0x2  }
0xb9: {  	s3 =	sand.u32 $0x4000, s31;
	s1 =	sadd.s32 s1, s30  }
0xba: {  	s0 =	sor.u32 s3, s0;
	s1 =	sshll.u32 s1, $0x11  }
0xbb: {  	s0 =	sor.u32 s1, s0  }
0xbc: {  	s0 =	sadd.s32 $0x8F2B, s0  }
0xbd: {  	[sflag:s0] =	ssyncadd.remote.s32 $0x1  }
0xbe: {  	_ =	sfence.sel $0xFFFF  }
0xbf: {  	[dreg:$0x0] =	wrdreg $0xFFFFFFFF;
	(pc) =	sbr.abs _section_cstart, $3  }
0xc0: {  	[dreg:$0x1] =	wrdreg $0xFFFFFFFF  }
0xc1: {  	_ =	task.clear_ibuf [dreg:s6], $0x2FFFF;
	_ =	strace $0x9FFFFFFF  }
0xc2: {  	(tm) =	ssettm $0x7FFFFFFF  }
0xc3: {  	_ =	shalt  }
tec
execute0_lowered:
.L_overlay_start_1:
0x0: {  	(tag) =	ssettag $0x1  }
0x1: {  	s0 =	srdreg.scid  }
0x2: {  	s8 =	stileid.u32;
	s3 =	rddreg [dreg:$0x0]  }
0x3: {  	s2 =	rddreg [dreg:$0x1];
	s6 =	simm.s32 $0x0;
	s18 =	simm.s32 $0x14000  }
0x4: {  	s19 =	simm.s32 $0x5;
	s20 =	simm.s32 $0x1A780;
	s21 =	simm.s32 $0x16780  }
0x5: {  	s22 =	simm.s32 $0x50;
	s28 =	simm.s32 $0x3;
	s30 =	simm.s32 $0x2  }
0x6: {  	s31 =	simm.s32 $0x16800;
	s0 =	sand.u32 $0x1, s0;
	s7 =	smul.u32 $0x50000, s8  }
0x7: {  	s1 =	sshll.u32 s8, $0x1;
	s4 =	sshrl.u32 s8, $0x2;
	s29 =	smul.u32 $0x2800, s8  }
0x8: {  	[smem:$0x7FF] =	sst s6;
	s1 =	sor.u32 s0, s1;
	s4 =	smul.u32 $0x13C00, s4  }
0x9: {  	_ =	strace $0x8000004A;
	s24 =	smul.u32 $0x28000, s0;
	s0 =	ssub.s32 $0x2, s0  }
0xa: {  	s5 =	sshll.u32 s1, $0x7;
	s1 =	sshll.u32 s1, $0xB;
	s25 =	sshrl.u32 s0, $0x1  }
0xb: {  	s7 =	sshrl.u32 s7, $0x2;
	s5 =	sand.u32 $0x380, s5;
	s1 =	sadd.s32 s1, s3  }
0xc: {  	s0 =	ssub.s32 s0, s25;
	s7 =	sadd.s32 s7, s2;
	s25 =	simm.s32 $0x1CF80  }
0xd: {  	s4 =	sor.u32 s4, s5;
	s6 =	sadd.s32 $0x2200, s1;
	s8 =	smax.u32 s0, $0x1  }
0xe: {  	s9 =	sadd.s32 $0x2800, s7;
	s10 =	sadd.s32 $0x5000, s7;
	s11 =	sadd.s32 $0x7800, s7  }
0xf: {  	s12 =	sadd.s32 $0xA000, s7;
	s13 =	sadd.s32 $0xC800, s7;
	s14 =	sadd.s32 $0xF000, s7  }
0x10: {  	s15 =	sadd.s32 $0x11800, s7;
	s1 =	simm.s32 $0x4;
	s5 =	sshrl.u32 s4, $0x3  }
0x11: {  	s4 =	sadd.s32 $0x1C000, s3;
	s5 =	sadd.s32 s5, s3;
	s3 =	sadd.s32 s24, s3  }
0x12: {  	s0 =	simm.s32 $0x0;
	s5 =	sadd.s32 $0x12200, s5;
	s26 =	sadd.s32 $0x44000, s3  }
0x13: {  	v0 =	vimm.f32 $0.0e+00;
	s3 =	simm.s32 $0x1A580;
	s24 =	sadd.s32 s29, s26;
	s26 =	simm.s32 $0x1  }
.LBB2_1:
0x14: {  	s16 =	simm.s32 $0x80;
	s17 =	simm.s32 $0x400  }
0x15: {  	[tilespmem:s18], [sflag:$0x5] =	stream.strided.gather [hbm4b:s5+s16], $0x2780, s17, s16, $0x38;
	[tilespmem:$0x1F780] =	vst v63  }
0x16: {  	_ =	swait.ge [sflag:s19], $0x2780  }
0x17: {  	[sflag:s19] =	ssyncset.done $0x0  }
0x18: {  	s16 =	simm.s32 $0x70;
	s17 =	simm.s32 $0x3C0;
	[sflag:s19] =	ssyncadd.s32 $0xFFFFD880  }
.LBB2_2:
0x19: {  	p0 =	sne.s32 s17, $0x9FC0;
	[tilespmem:s16+$0x1A780] =	vst v0  }
0x1a: {  	[tilespmem:s16+$0x1A710] =	vst v0  }
0x1b: {  	[tilespmem:s16+$0x1A720] =	vst v0  }
.Ltmp0:
0x1c: {  	[tilespmem:s16+$0x1A730] =	vst v0;
	(pc) =	sbr.rel @p0 .LBB2_2-.Ltmp0, $4  }
0x1d: {  	[tilespmem:s16+$0x1A740] =	vst v0  }
0x1e: {  	[tilespmem:s16+$0x1A750] =	vst v0  }
0x1f: {  	[tilespmem:s16+$0x1A760] =	vst v0  }
0x20: {  	[tilespmem:s16+$0x1A770] =	vst v0;
	s16 =	sshra.s32 s17, $0x2;
	s17 =	sadd.s32 $0x200, s17  }
0x21: {  	[tilespmem:s16+$0x1A780] =	vst v0  }
0x22: {  	[tilespmem:s16+$0x1A710] =	vst v0  }
0x23: {  	[tilespmem:s16+$0x1A720] =	vst v0  }
0x24: {  	[tilespmem:s16+$0x1A730] =	vst v0  }
0x25: {  	[tilespmem:s16+$0x1A740] =	vst v0  }
0x26: {  	[tilespmem:s16+$0x1A750] =	vst v0  }
0x27: {  	[tilespmem:s16+$0x1A760] =	vst v0  }
0x28: {  	[tilespmem:s16+$0x1A770] =	vst v0  }
0x29: {  	[spmem:s7] =	stream.linear.scatter [tilespmem:s20], [sflag:$0x5], $0x2800, $0x38;
	[tilespmem:$0x1F780] =	vst v63  }
0x2a: {  	_ =	swait.ge [sflag:s19], $0x2800  }
0x2b: {  	[sflag:s19] =	ssyncset.done $0x0  }
0x2c: {  	[sflag:s19] =	ssyncadd.s32 $0xFFFFD800  }
0x2d: {  	[spmem:s9] =	stream.linear.scatter [tilespmem:s20], [sflag:$0x5], $0x2800, $0x38;
	[tilespmem:$0x1F780] =	vst v63  }
0x2e: {  	_ =	swait.ge [sflag:s19], $0x2800  }
0x2f: {  	[sflag:s19] =	ssyncset.done $0x0  }
0x30: {  	[sflag:s19] =	ssyncadd.s32 $0xFFFFD800  }
0x31: {  	[spmem:s10] =	stream.linear.scatter [tilespmem:s20], [sflag:$0x5], $0x2800, $0x38;
	[tilespmem:$0x1F780] =	vst v63  }
0x32: {  	_ =	swait.ge [sflag:s19], $0x2800  }
0x33: {  	[sflag:s19] =	ssyncset.done $0x0  }
0x34: {  	[sflag:s19] =	ssyncadd.s32 $0xFFFFD800  }
0x35: {  	[spmem:s11] =	stream.linear.scatter [tilespmem:s20], [sflag:$0x5], $0x2800, $0x38;
	[tilespmem:$0x1F780] =	vst v63  }
0x36: {  	_ =	swait.ge [sflag:s19], $0x2800  }
0x37: {  	[sflag:s19] =	ssyncset.done $0x0  }
0x38: {  	[sflag:s19] =	ssyncadd.s32 $0xFFFFD800  }
0x39: {  	[spmem:s12] =	stream.linear.scatter [tilespmem:s20], [sflag:$0x5], $0x2800, $0x38;
	[tilespmem:$0x1F780] =	vst v63  }
0x3a: {  	_ =	swait.ge [sflag:s19], $0x2800  }
0x3b: {  	[sflag:s19] =	ssyncset.done $0x0  }
0x3c: {  	[sflag:s19] =	ssyncadd.s32 $0xFFFFD800  }
0x3d: {  	[spmem:s13] =	stream.linear.scatter [tilespmem:s20], [sflag:$0x5], $0x2800, $0x38;
	[tilespmem:$0x1F780] =	vst v63  }
0x3e: {  	_ =	swait.ge [sflag:s19], $0x2800  }
0x3f: {  	[sflag:s19] =	ssyncset.done $0x0  }
0x40: {  	[sflag:s19] =	ssyncadd.s32 $0xFFFFD800  }
0x41: {  	[spmem:s14] =	stream.linear.scatter [tilespmem:s20], [sflag:$0x5], $0x2800, $0x38;
	[tilespmem:$0x1F780] =	vst v63  }
0x42: {  	_ =	swait.ge [sflag:s19], $0x2800  }
0x43: {  	[sflag:s19] =	ssyncset.done $0x0  }
0x44: {  	[sflag:s19] =	ssyncadd.s32 $0xFFFFD800  }
0x45: {  	[spmem:s15] =	stream.linear.scatter [tilespmem:s20], [sflag:$0x5], $0x2800, $0x38;
	[tilespmem:$0x1F780] =	vst v63  }
0x46: {  	_ =	swait.ge [sflag:s19], $0x2800  }
0x47: {  	[sflag:s19] =	ssyncset.done $0x0  }
0x48: {  	[sflag:s19] =	ssyncadd.s32 $0xFFFFD800  }
0x49: {  	s17 =	simm.s32 $0x0;
	[bflag:$0x0] =	sbarrier.arrive $0xFFFF  }
0x4a: {  	[tilespmem:s21], [sflag:$0x5] =	stream.linear.gather [hbm4b:s6+s17], $0x3E80, $0x38;
	[tilespmem:$0x1F780] =	vst v63  }
0x4b: {  	_ =	swait.ge [sflag:s19], $0x3E80  }
0x4c: {  	[sflag:s19] =	ssyncset.done $0x0  }
0x4d: {  	[sflag:s19] =	ssyncadd.s32 $0xFFFFC180  }
0x4e: {  	[tilespmem:s20], [sflag:$0x1] =	stream.indirect.gather [hbm4b:s4+s22], $0x80, s18, s22, $0xb8;
	[tilespmem:$0x1F780] =	vst v63  }
0x4f: {  	s23 =	simm.s32 $0x14050  }
0x50: {  	[tilespmem:s25], [sflag:$0x2] =	stream.indirect.gather [hbm4b:s4+s22], $0x80, s23, s22, $0xb8;
	[tilespmem:$0x1F780] =	vst v63  }
0x51: {  	_ =	swait.ge [sflag:s26], $0x2800  }
0x52: {  	[sflag:s26] =	ssyncset.done $0x0  }
0x53: {  	[sflag:s26] =	ssyncadd.s32 $0xFFFFD800  }
0x54: {  	[spmem:s2] =	stream.indirect.scatter.add.f32 [tilespmem:s20], [sflag:$0x3], $0x80, s21, s22, $0xb8;
	[tilespmem:$0x1F780] =	vst v63  }
0x55: {  	_ =	swait.ge [sflag:s28], $0x2800  }
0x56: {  	[sflag:s28] =	ssyncset.done $0x0  }
0x57: {  	s29 =	simm.s32 $0x140A0;
	[sflag:s28] =	ssyncadd.s32 $0xFFFFD800  }
0x58: {  	[tilespmem:s20], [sflag:$0x1] =	stream.indirect.gather [hbm4b:s4+s22], $0x80, s29, s22, $0xb8;
	[tilespmem:$0x1F780] =	vst v63  }
0x59: {  	_ =	swait.ge [sflag:s30], $0x2800  }
0x5a: {  	[sflag:s30] =	ssyncset.done $0x0  }
0x5b: {  	[sflag:s30] =	ssyncadd.s32 $0xFFFFD800  }
0x5c: {  	[spmem:s2] =	stream.indirect.scatter.add.f32 [tilespmem:s25], [sflag:$0x4], $0x80, s31, s22, $0xb8;
	[tilespmem:$0x1F780] =	vst v63  }
0x5d: {  	_ =	swait.ge [sflag:s1], $0x2800  }
0x5e: {  	[sflag:s1] =	ssyncset.done $0x0  }
0x5f: {  	s17 =	simm.s32 $0x140F0;
	[sflag:s1] =	ssyncadd.s32 $0xFFFFD800  }
0x60: {  	[tilespmem:s25], [sflag:$0x2] =	stream.indirect.gather [hbm4b:s4+s22], $0x80, s17, s22, $0xb8;
	[tilespmem:$0x1F780] =	vst v63  }
0x61: {  	_ =	swait.ge [sflag:s26], $0x2800  }
0x62: {  	[sflag:s26] =	ssyncset.done $0x0  }
0x63: {  	s23 =	simm.s32 $0x16880;
	[sflag:s26] =	ssyncadd.s32 $0xFFFFD800  }
0x64: {  	[spmem:s2] =	stream.indirect.scatter.add.f32 [tilespmem:s20], [sflag:$0x3], $0x80, s23, s22, $0xb8;
	[tilespmem:$0x1F780] =	vst v63  }
0x65: {  	_ =	swait.ge [sflag:s28], $0x2800  }
0x66: {  	[sflag:s28] =	ssyncset.done $0x0  }
0x67: {  	s29 =	simm.s32 $0x14140;
	[sflag:s28] =	ssyncadd.s32 $0xFFFFD800  }
0x68: {  	[tilespmem:s20], [sflag:$0x1] =	stream.indirect.gather [hbm4b:s4+s22], $0x80, s29, s22, $0xb8;
	[tilespmem:$0x1F780] =	vst v63  }
0x69: {  	_ =	swait.ge [sflag:s30], $0x2800  }
0x6a: {  	s16 =	simm.s32 $0xFFFF6A00;
	[sflag:s30] =	ssyncset.done $0x0  }
0x6b: {  	s17 =	simm.s32 $0x16980;
	s23 =	simm.s32 $0x16900;
	[sflag:s30] =	ssyncadd.s32 $0xFFFFD800  }
.LBB2_4:
0x6c: {  	[spmem:s2] =	stream.indirect.scatter.add.f32 [tilespmem:s25], [sflag:$0x4], $0x80, s23, s22, $0xb8;
	[tilespmem:$0x1F780] =	vst v63  }
0x6d: {  	s23 =	smov.u32 s16  }
0x6e: {  	p0 =	sne.s32 s16, $0xFFFFFD80;
	s16 =	sadd.s32 $0x280, s16;
	_ =	swait.ge [sflag:s1], $0x2800  }
0x6f: {  	s23 =	sshra.s32 s23, $0x2;
	[sflag:s1] =	ssyncset.done $0x0  }
0x70: {  	s29 =	sadd.s32 $0x16710, s23;
	[sflag:s1] =	ssyncadd.s32 $0xFFFFD800  }
0x71: {  	[tilespmem:s25], [sflag:$0x2] =	stream.indirect.gather [hbm4b:s4+s22], $0x80, s29, s22, $0xb8;
	[tilespmem:$0x1F780] =	vst v63  }
0x72: {  	_ =	swait.ge [sflag:s26], $0x2800  }
0x73: {  	[sflag:s26] =	ssyncset.done $0x0  }
0x74: {  	[sflag:s26] =	ssyncadd.s32 $0xFFFFD800  }
0x75: {  	[spmem:s2] =	stream.indirect.scatter.add.f32 [tilespmem:s20], [sflag:$0x3], $0x80, s17, s22, $0xb8;
	[tilespmem:$0x1F780] =	vst v63  }
0x76: {  	_ =	swait.ge [sflag:s28], $0x2800  }
0x77: {  	[sflag:s28] =	ssyncset.done $0x0  }
.Ltmp1:
0x78: {  	s23 =	sadd.s32 $0x16760, s23;
	[sflag:s28] =	ssyncadd.s32 $0xFFFFD800;
	(pc) =	sbr.rel @p0 .LBB2_4-.Ltmp1, $4  }
0x79: {  	[tilespmem:s20], [sflag:$0x1] =	stream.indirect.gather [hbm4b:s4+s22], $0x80, s23, s22, $0xb8;
	[tilespmem:$0x1F780] =	vst v63  }
0x7a: {  	_ =	swait.ge [sflag:s30], $0x2800  }
0x7b: {  	[sflag:s30] =	ssyncset.done $0x0  }
0x7c: {  	s23 =	sadd.s32 $0x80, s17;
	s17 =	sadd.s32 $0x100, s17;
	[sflag:s30] =	ssyncadd.s32 $0xFFFFD800  }
0x7d: {  	[spmem:s2] =	stream.indirect.scatter.add.f32 [tilespmem:s25], [sflag:$0x4], $0x80, s23, s22, $0xb8;
	[tilespmem:$0x1F780] =	vst v63  }
0x7e: {  	_ =	swait.ge [sflag:s26], $0x2800  }
0x7f: {  	[sflag:s26] =	ssyncset.done $0x0  }
0x80: {  	[sflag:s26] =	ssyncadd.s32 $0xFFFFD800  }
0x81: {  	[spmem:s2] =	stream.indirect.scatter.add.f32 [tilespmem:s20], [sflag:$0x3], $0x80, s3, s22, $0xb8;
	[tilespmem:$0x1F780] =	vst v63  }
0x82: {  	_ =	swait.ge [sflag:s28], $0x2800  }
0x83: {  	[sflag:s28] =	ssyncset.done $0x0  }
0x84: {  	[sflag:s28] =	ssyncadd.s32 $0xFFFFD800  }
0x85: {  	s16 =	stileid.u32;
	_ =	swait.ge [sflag:s1], $0x2800  }
0x86: {  	s17 =	sshrl.u32 s7, $0x3;
	s0 =	sadd.s32 $0x1, s0;
	[sflag:s1] =	ssyncset.done $0x0  }
0x87: {  	s16 =	sshll.u32 s16, $0x6;
	p0 =	sne.s32 s0, s8;
	[sflag:s1] =	ssyncadd.s32 $0xFFFFD800  }
.Ltmp2:
0x88: {  	s16 =	sor.u32 $0x1C05, s16;
	[bflag:$0x0] =	sbarrier.arrive $0xFFFF;
	(pc) =	sbr.rel @p0 .LBB2_1-.Ltmp2, $4  }
0x89: {  	[hbm:s24], [sflag:s16] =	dma.local [spmem:s17], $0x2800  }
0x8a: {  	_ =	swait.ge [sflag:s19], $0x2800  }
0x8b: {  	[sflag:s19] =	ssyncset.done $0x0  }
0x8c: {  	[sflag:s19] =	ssyncadd.s32 $0xFFFFD800  }
0x8d: {  	_ =	sfence.sel $0x180000  }
0x8e: {  	[bflag:$0x0] =	sbarrier.arrive $0xFFFF  }
0x8f: {  	_ =	strace $0x9000004A  }
0x90: {  	s0 =	stileid.u32;
	[bflag:$0x2] =	sbarrier.arrive $0xFFFF  }
0x91: {  	p0 =	sne.s32 s0, $0x0;
	s0 =	rddreg [dreg:$0x2]  }
0x92: {  	s0 =	sadd.s32 @!p0 $0x100000, s0  }
0x93: {  	[sflag:s0] =	ssyncadd.tile.s32 @!p0 $0x1;
	_ =	shalt  }
.Lfunc_end2:
_tile_overlayer_lowered:
.L_overlay_start_2:
0x94: {  	(tag) =	ssettag $0x2  }
0x95: {  	s0 =	rddreg [dreg:$0x0];
	s2 =	stileid.u32  }
0x96: {  	s1 =	rddreg [dreg:$0x1];
	p0 =	sne.s32 s2, $0x0  }
0x97: {  	s3 =	rddreg [dreg:$0x2];
	[bflag:$0x3] =	sbarrier.arrive $0xFFFF;
	s2 =	simm.s32 @!p0 $0x1C05  }
0x98: {  	[timem:s3], [sflag:s2] =	dma.local @!p0 [hbm:s0], s1  }
0x99: {  	s0 =	simm.s32 @!p0 $0x5  }
0x9a: {  	_ =	swait.ge @!p0 [sflag:s0], s1  }
0x9b: {  	s1 =	ssub.s32 @!p0 $0x0, s1;
	[sflag:s0] =	ssyncset.done @!p0 $0x0  }
0x9c: {  	[sflag:s0] =	ssyncadd.s32 @!p0 s1  }
0x9d: {  	[bflag:$0x3] =	sbarrier.arrive $0xFFFF  }
0x9e: {  	_ =	shalt  }

// kernel: kernel.8.cloned.1.call-start
scs
__scs_entry_jumppad:
0x0: {  	(pc) =	sbr.rel $0x88, $3  }
0x1: {  	(tag) =	ssettag $0x0;
	lr =	simm.s32 $0x1  }
0x2: {  	[smem:$0x3F95] =	sst lr;
	_ =	strace $0xD0000000  }
0x3: {  	_ = 	snop  }
0x4: {  	_ = 	snop  }
0x5: {  	_ = 	snop  }
0x6: {  	_ = 	snop  }
0x7: {  	_ = 	snop  }
__scs_overlays_trampoline_lowered:
0x8: {  	[smem:$0x3FA4] =	sst s0  }
0x9: {  	[smem:$0x3FA5] =	sst s1  }
0xa: {  	[smem:$0x3FA6] =	sst s2  }
0xb: {  	[smem:$0x3FA7] =	sst s3  }
0xc: {  	[smem:$0x3FA8] =	sst s4  }
0xd: {  	[smem:$0x3FA9] =	sst s5  }
0xe: {  	[smem:$0x3FAA] =	sst s6  }
0xf: {  	[smem:$0x3FAB] =	sst s7  }
0x10: {  	[smem:$0x3FAC] =	sst s8  }
0x11: {  	[smem:$0x3FAD] =	sst s9;
	s0 =	simm.s32 @!p0 $0x0  }
0x12: {  	s1 =	sld [smem:$0x3F93];
	s0 =	simm.s32 @p0 $0x1  }
0x13: {  	[smem:$0x3FAE] =	sst s0;
	s0 =	simm.s32 @!p1 $0x0  }
0x14: {  	s2 =	sld [smem:$0x3F92];
	s0 =	simm.s32 @p1 $0x1  }
0x15: {  	[smem:$0x3FAF] =	sst s0;
	s0 =	simm.s32 @!p2 $0x0  }
0x16: {  	s3 =	sld [smem:$0x3FDB];
	s0 =	simm.s32 @p2 $0x1  }
0x17: {  	s4 =	simm.s32 $0x1BF5;
	[smem:$0x3FB1] =	sst s0  }
0x18: {  	s0 =	sld [smem:$0x3F94];
	_ =	swait.ge [sflag:s4], $0x0  }
0x19: {  	s7 =	sld [smem:$0x3F95]  }
0x1a: {  	s8 =	sadd.s32 $0xFFFFE003, lr  }
0x1b: {  	s9 =	sadd.s32 $0xFFFFFEF7, lr;
	s5 =	simm.s32 $0xFFFFFFFF;
	p2 =	slt.u32 s8, $0xFFFFF086  }
0x1c: {  	p1 =	slt.u32 s9, $0xF7A;
	s5 =	simm.s32 @!p2 $0x0  }
0x1d: {  	s5 =	simm.s32 @p1 $0x1;
	p0 =	seq.s32 s7, s2  }
0x1e: {  	s7 =	smul.u32 @!p0 $0xF7A, s2;
	p2 =	seq.s32 @!p0 s5, $0x0  }
0x1f: {  	s9 =	smul.u32 $0xF7A, s1;
	s8 =	simm.s32 @!p0 $0x1BF5;
	p2 =	por !p2, p0  }
0x20: {  	[sflag:s8] =	ssyncset.s32 @!p0 $0xFFFFF086;
	s6 =	sadd.s32 @!p0 s3, s7;
	s7 =	simm.s32 @!p0 $0x108  }
0x21: {  	s3 =	sadd.s32 s3, s9;
	s6 =	sadd.s32 @!p0 $0x88, s6;
	s7 =	simm.s32 @p2 $0x1082  }
0x22: {  	[simem:s7], [sflag:s8] =	dma.local @!p0 [hbm:s6], $0xF7A  }
0x23: {  	s9 =	sor.u32 $0xD0000000, s2;
	s6 =	simm.s32 $0x108;
	_ =	swait.ge @!p0 [sflag:s8], $0x0  }
0x24: {  	s3 =	sadd.s32 $0x88, s3;
	s6 =	simm.s32 @!p1 $0x1082;
	[sflag:s4] =	ssyncset.s32 $0xFFFFF086  }
0x25: {  	[simem:s6], [sflag:s4] =	dma.local [hbm:s3], $0xF7A  }
0x26: {  	[smem:$0x3F95] =	sst s1;
	(tag) =	ssettag s2;
	_ =	strace s9  }
0x27: {  	s1 =	sld [smem:$0x3FA5]  }
0x28: {  	s2 =	sld [smem:$0x3FA6]  }
0x29: {  	s4 =	sld [smem:$0x3FA8]  }
0x2a: {  	p0 =	seq.s32 s5, $0x0;
	s5 =	sld [smem:$0x3FA9]  }
0x2b: {  	s6 =	sld [smem:$0x3FAA]  }
0x2c: {  	s7 =	sld [smem:$0x3FAB]  }
0x2d: {  	s3 =	simm.s32 $0x108;
	s8 =	sld [smem:$0x3FAC]  }
0x2e: {  	s3 =	simm.s32 @!p0 $0x1082;
	s9 =	sld [smem:$0x3FAD]  }
0x2f: {  	lr =	sadd.s32 s0, s3;
	s0 =	sld [smem:$0x3FA4]  }
0x30: {  	s3 =	sld [smem:$0x3FA7]  }
0x31: {  	[smem:$0x3FB0] =	sst s10  }
0x32: {  	s10 =	sld [smem:$0x3FAE];
	_ =	sdelay $0x3  }
0x33: {  	p0 =	seq.s32 s10, $0x1;
	s10 =	sld [smem:$0x3FB0];
	_ =	sdelay $0x3  }
0x34: {  	[smem:$0x3FB0] =	sst s10  }
0x35: {  	s10 =	sld [smem:$0x3FAF];
	_ =	sdelay $0x3  }
0x36: {  	p1 =	seq.s32 s10, $0x1;
	s10 =	sld [smem:$0x3FB0];
	_ =	sdelay $0x3  }
0x37: {  	[smem:$0x3FB0] =	sst s10  }
0x38: {  	s10 =	sld [smem:$0x3FB1]  }
0x39: {  	_ = 	snop;
	(pc) =	sbr.ind lr, $3  }
0x3a: {  	_ = 	snop  }
0x3b: {  	_ = 	snop  }
0x3c: {  	p2 =	seq.s32 s10, $0x1;
	s10 =	sld [smem:$0x3FB0]  }
0x3d: {  	_ =	shalt  }
0x3e: {  	_ =	shalt  }
0x3f: {  	_ =	shalt  }
0x40: {  	_ =	shalt  }
0x41: {  	_ =	shalt  }
0x42: {  	_ =	shalt  }
0x43: {  	_ =	shalt  }
0x44: {  	_ =	shalt  }
0x45: {  	_ =	shalt  }
0x46: {  	_ =	shalt  }
0x47: {  	_ =	shalt  }
0x48: {  	_ =	shalt  }
0x49: {  	_ =	shalt  }
0x4a: {  	_ =	shalt  }
0x4b: {  	_ =	shalt  }
0x4c: {  	_ =	shalt  }
0x4d: {  	_ =	shalt  }
0x4e: {  	_ =	shalt  }
0x4f: {  	_ =	shalt  }
0x50: {  	_ =	shalt  }
0x51: {  	_ =	shalt  }
0x52: {  	_ =	shalt  }
0x53: {  	_ =	shalt  }
0x54: {  	_ =	shalt  }
0x55: {  	_ =	shalt  }
0x56: {  	_ =	shalt  }
0x57: {  	_ =	shalt  }
0x58: {  	_ =	shalt  }
0x59: {  	_ =	shalt  }
0x5a: {  	_ =	shalt  }
0x5b: {  	_ =	shalt  }
0x5c: {  	_ =	shalt  }
0x5d: {  	_ =	shalt  }
0x5e: {  	_ =	shalt  }
0x5f: {  	_ =	shalt  }
0x60: {  	_ =	shalt  }
0x61: {  	_ =	shalt  }
0x62: {  	_ =	shalt  }
0x63: {  	_ =	shalt  }
0x64: {  	_ =	shalt  }
0x65: {  	_ =	shalt  }
0x66: {  	_ =	shalt  }
0x67: {  	_ =	shalt  }
0x68: {  	_ =	shalt  }
0x69: {  	_ =	shalt  }
0x6a: {  	_ =	shalt  }
0x6b: {  	_ =	shalt  }
0x6c: {  	_ =	shalt  }
0x6d: {  	_ =	shalt  }
0x6e: {  	_ =	shalt  }
0x6f: {  	_ =	shalt  }
0x70: {  	_ =	shalt  }
0x71: {  	_ =	shalt  }
0x72: {  	_ =	shalt  }
0x73: {  	_ =	shalt  }
0x74: {  	_ =	shalt  }
0x75: {  	_ =	shalt  }
0x76: {  	_ =	shalt  }
0x77: {  	_ =	shalt  }
0x78: {  	_ =	shalt  }
0x79: {  	_ =	shalt  }
0x7a: {  	_ =	shalt  }
0x7b: {  	_ =	shalt  }
0x7c: {  	_ =	shalt  }
0x7d: {  	_ =	shalt  }
0x7e: {  	_ =	shalt  }
0x7f: {  	_ =	shalt  }
0x80: {  	_ =	shalt  }
0x81: {  	_ =	shalt  }
0x82: {  	_ =	shalt  }
0x83: {  	_ =	shalt  }
0x84: {  	_ =	shalt  }
0x85: {  	_ =	shalt  }
0x86: {  	_ =	shalt  }
0x87: {  	_ =	shalt  }
.Lfunc_end0:
.L_simem_size_0:
called_computation_lowered:
.L_overlay_start_0:
0x88: {  	s2 =	sld [smem:$0x3FD9]  }
0x89: {  	s3 =	sld [smem:$0x3FFE];
	_ =	sdelay $0x1  }
0x8a: {  	s1 =	srdreg.scid  }
0x8b: {  	s0 =	sand.u32 $0x1, s1  }
0x8c: {  	s16 =	sshll.u32 s0, $0xA;
	s2 =	sadd.s32 s3, s2  }
0x8d: {  	s2 =	sadd.s32 s2, s16  }
0x8e: {  	[smem:$0x3FBC] =	sst s2  }
0x8f: {  	_ = 	snop  }
0x90: {  	(tm) =	ssettm $0x1  }
0x91: {  	s17 =	sld [smem:$0x3FFB];
	_ =	sdelay $0x3  }
0x92: {  	_ =	strace s17  }
0x93: {  	s2 =	sld [smem:$0x3FFC];
	_ =	sdelay $0x3  }
0x94: {  	_ =	strace s2  }
0x95: {  	s2 =	sld [smem:$0x3FFD];
	_ =	sdelay $0x3  }
0x96: {  	_ =	strace s2  }
0x97: {  	_ =	strace $0x8FFFFFFF  }
0x98: {  	s18 =	sld [smem:$0x3FDB];
	_ =	sdelay $0x1  }
0x99: {  	s19 =	simm.s32 $_scs_section_size  }
0x9a: {  	s4 =	simm.s32 $_size__tile_overlayer_lowered;
	s5 =	simm.s32 $_tile_overlayer_lowered  }
0x9b: {  	s22 =	simm.s32 $0x1BFF;
	s21 =	sshll.u32 s5, $0x1;
	s2 =	sadd.s32 s19, s18  }
0x9c: {  	s6 =	simm.s32 $0x0;
	s20 =	sshll.u32 s4, $0x1;
	s4 =	sadd.s32 s21, s2  }
0x9d: {  	[timem:s6], [sflag:s22] =	dma.local [hbm:s4], s20  }
0x9e: {  	_ =	swait.ge [sflag:s22], s20  }
0x9f: {  	s3 =	ssub.s32 $0x0, s20;
	[sflag:s22] =	ssyncset.done $0x0  }
0xa0: {  	[sflag:s22] =	ssyncadd.s32 s3;
	_ =	sdelay $0x1  }
0xa1: {  	s23 =	simm.s32 $0x1B8B  }
0xa2: {  	_ =	swait.ge [sflag:s23], $0x1  }
0xa3: {  	[sflag:s23] =	ssyncset.done $0x0  }
0xa4: {  	s25 =	simm.s32 $0x1B8E;
	s24 =	sld [smem:$0x3FFE];
	[sflag:s23] =	ssyncadd.s32 $0xFFFFFFFF  }
0xa5: {  	s26 =	simm.s32 $execute0_lowered;
	[smem:$0x3FD2] =	sst s25  }
0xa6: {  	s4 =	sshll.u32 s26, $0x1;
	_ =	strace $0x80000046;
	[dreg:$0x1] =	wrdreg $0xFFFFFFFF  }
0xa7: {  	s28 =	simm.s32 $_size_execute0_lowered;
	s2 =	sadd.s32 s2, s4;
	[dreg:$0x0] =	wrdreg $0x0  }
0xa8: {  	s4 =	sshll.u32 s28, $0x1;
	[dreg:$0x2] =	wrdreg s2  }
0xa9: {  	[dreg:$0x3] =	wrdreg s4  }
0xaa: {  	[dreg:$0x4] =	wrdreg $0xC0  }
0xab: {  	_ =	task [dreg:s6], $0x5FFFF  }
0xac: {  	[dreg:$0x1] =	wrdreg $0xFFFFFFFF  }
0xad: {  	[dreg:$0x0] =	wrdreg $0x60  }
0xae: {  	[dreg:$0x2] =	wrdreg s24  }
0xaf: {  	[dreg:$0x3] =	wrdreg $0x0  }
0xb0: {  	[dreg:$0x4] =	wrdreg $0x1F7800  }
0xb1: {  	[dreg:$0x5] =	wrdreg $0x9  }
0xb2: {  	_ =	task.clear_ibuf [dreg:s6], $0x6FFFF;
	_ =	strace $0x90000046  }
0xb3: {  	s29 =	simm.s32 $0x9;
	_ =	strace $0x80000048  }
0xb4: {  	_ =	swait.ge [sflag:s29], $0x1  }
0xb5: {  	[sflag:s29] =	ssyncadd.s32 $0xFFFFFFFF  }
0xb6: {  	_ =	strace $0x90000048  }
0xb7: {  	_ =	sfence  }
0xb8: {  	s30 =	sld [smem:$0x0];
	_ =	sdelay $0x2  }
0xb9: {  	s31 =	sshll.u32 s1, $0xD;
	s1 =	sshrl.u32 s1, $0x2  }
0xba: {  	s3 =	sand.u32 $0x4000, s31;
	s1 =	sadd.s32 s1, s30  }
0xbb: {  	s0 =	sor.u32 s3, s0;
	s1 =	sshll.u32 s1, $0x11  }
0xbc: {  	s0 =	sor.u32 s1, s0  }
0xbd: {  	s0 =	sadd.s32 $0x8F2B, s0  }
0xbe: {  	[sflag:s0] =	ssyncadd.remote.s32 $0x1  }
0xbf: {  	_ =	sfence.sel $0xFFFF  }
0xc0: {  	[dreg:$0x0] =	wrdreg $0xFFFFFFFF;
	(pc) =	sbr.abs _section_cstart, $3  }
0xc1: {  	[dreg:$0x1] =	wrdreg $0xFFFFFFFF  }
0xc2: {  	_ =	task.clear_ibuf [dreg:s6], $0x2FFFF;
	_ =	strace $0x9FFFFFFF  }
0xc3: {  	(tm) =	ssettm $0x7FFFFFFF  }
tec
execute0_lowered:
.L_overlay_start_1:
0x0: {  	(tag) =	ssettag $0x1  }
0x1: {  	s0 =	rddreg [dreg:$0x0]  }
0x2: {  	s2 =	rddreg [dreg:$0x1]  }
0x3: {  	s1 =	srdreg.scid;
	s11 =	stileid.u32  }
0x4: {  	s3 =	rddreg [dreg:$0x2];
	s7 =	simm.s32 $0x0;
	s20 =	simm.s32 $0x14000  }
0x5: {  	s21 =	simm.s32 $0x6;
	s23 =	simm.s32 $0x1A780;
	s9 =	smul.u32 $0xA00, s11  }
0x6: {  	s28 =	simm.s32 $0x50;
	s30 =	simm.s32 $0x1CF80;
	s10 =	smul.u32 $0x50000, s11  }
0x7: {  	s31 =	simm.s32 $0x1;
	s29 =	simm.s32 $0x2;
	s18 =	smul.u32 $0x2800, s11  }
0x8: {  	s1 =	sand.u32 $0x1, s1;
	s5 =	sshrl.u32 s11, $0x2;
	s19 =	smul.u32 $0xA0, s11  }
0x9: {  	s4 =	sshll.u32 s11, $0x1;
	[smem:$0x7FF] =	sst s7;
	s5 =	smul.u32 $0x13C00, s5  }
0xa: {  	s4 =	sor.u32 s1, s4;
	_ =	strace $0x80000047;
	s24 =	smul.u32 $0x28000, s1  }
0xb: {  	s25 =	sshll.u32 s1, $0x4;
	s1 =	ssub.s32 $0x2, s1;
	s6 =	sshll.u32 s4, $0x7  }
0xc: {  	s4 =	sshll.u32 s4, $0xB;
	s26 =	sshrl.u32 s1, $0x1;
	s9 =	sshrl.u32 s9, $0x2  }
0xd: {  	s12 =	sshrl.u32 s10, $0x2;
	s10 =	simm.s32 $0x0;
	s6 =	sand.u32 $0x380, s6  }
0xe: {  	s4 =	sadd.s32 s4, s0;
	s8 =	sadd.s32 s24, s0;
	s1 =	ssub.s32 s1, s26  }
0xf: {  	s7 =	sadd.s32 s9, s3;
	s9 =	sadd.s32 s12, s2;
	s12 =	simm.s32 $0x80  }
0x10: {  	s6 =	sor.u32 s5, s6;
	s5 =	sadd.s32 $0x1C000, s0;
	s4 =	sadd.s32 $0x2200, s4  }
0x11: {  	s13 =	sadd.s32 $0x44000, s8;
	s1 =	smax.u32 s1, $0x1;
	s24 =	sadd.s32 $0x2800, s9  }
0x12: {  	s26 =	sadd.s32 $0x7800, s9;
	s14 =	sadd.s32 $0xA000, s9;
	[dreg:$0x5] =	wrdreg s4  }
0x13: {  	s15 =	sadd.s32 $0xC800, s9;
	s16 =	sadd.s32 $0xF000, s9;
	[dreg:$0x6] =	wrdreg s1  }
0x14: {  	s17 =	sadd.s32 $0x11800, s9;
	s8 =	simm.s32 $0x5;
	[dreg:$0x7] =	wrdreg s24  }
0x15: {  	s6 =	sshrl.u32 s6, $0x3;
	[dreg:$0x9] =	wrdreg s26;
	s22 =	sadd.s32 s18, s13  }
0x16: {  	s26 =	simm.s32 $0x16780;
	s1 =	simm.s32 $0x1FC80;
	s4 =	simm.s32 $0x3  }
0x17: {  	s6 =	sadd.s32 s6, s0;
	s0 =	sadd.s32 s25, s0;
	s25 =	sadd.s32 $0x5000, s9  }
0x18: {  	s6 =	sadd.s32 $0x12200, s6;
	s0 =	sadd.s32 $0x94000, s0;
	[dreg:$0x8] =	wrdreg s25  }
0x19: {  	s25 =	simm.s32 $0x1FA00;
	[dreg:$0x4] =	wrdreg s6;
	s24 =	sadd.s32 s19, s0  }
0x1a: {  	v0 =	vimm.f32 $0.0e+00;
	v1 =	vimm.f32 $1.000000000e+00;
	s0 =	simm.s32 $0x16800;
	s19 =	simm.s32 $0x4;
	s6 =	simm.s32 $0x1A580  }
.LBB2_1:
0x1b: {  	s11 =	rddreg [dreg:$0x4];
	s13 =	simm.s32 $0x400  }
0x1c: {  	[tilespmem:s20], [sflag:$0x6] =	stream.strided.gather [hbm4b:s11+s12], $0x2780, s13, s12, $0x38;
	[tilespmem:$0x1FD00] =	vst v63  }
0x1d: {  	_ =	swait.ge [sflag:s21], $0x2780  }
0x1e: {  	[sflag:s21] =	ssyncset.done $0x0  }
0x1f: {  	s11 =	simm.s32 $0x70;
	s12 =	simm.s32 $0x3C0;
	[sflag:s21] =	ssyncadd.s32 $0xFFFFD880  }
.LBB2_2:
0x20: {  	p0 =	sne.s32 s12, $0x9FC0;
	[tilespmem:s11+$0x1A780] =	vst v0  }
0x21: {  	[tilespmem:s11+$0x1A710] =	vst v0  }
0x22: {  	[tilespmem:s11+$0x1A720] =	vst v0  }
.Ltmp0:
0x23: {  	[tilespmem:s11+$0x1A730] =	vst v0;
	(pc) =	sbr.rel @p0 .LBB2_2-.Ltmp0, $4  }
0x24: {  	[tilespmem:s11+$0x1A740] =	vst v0  }
0x25: {  	[tilespmem:s11+$0x1A750] =	vst v0  }
0x26: {  	[tilespmem:s11+$0x1A760] =	vst v0  }
0x27: {  	[tilespmem:s11+$0x1A770] =	vst v0;
	s11 =	sshra.s32 s12, $0x2;
	s12 =	sadd.s32 $0x200, s12  }
0x28: {  	[tilespmem:s11+$0x1A780] =	vst v0  }
0x29: {  	[tilespmem:s11+$0x1A710] =	vst v0  }
0x2a: {  	[tilespmem:s11+$0x1A720] =	vst v0  }
0x2b: {  	[tilespmem:s11+$0x1A730] =	vst v0  }
0x2c: {  	[tilespmem:s11+$0x1A740] =	vst v0  }
0x2d: {  	[tilespmem:s11+$0x1A750] =	vst v0  }
0x2e: {  	[tilespmem:s11+$0x1A760] =	vst v0  }
0x2f: {  	[tilespmem:s11+$0x1A770] =	vst v0  }
0x30: {  	[spmem:s9] =	stream.linear.scatter [tilespmem:s23], [sflag:$0x6], $0x2800, $0x38;
	[tilespmem:$0x1FD00] =	vst v63  }
0x31: {  	_ =	swait.ge [sflag:s21], $0x2800  }
0x32: {  	[sflag:s21] =	ssyncset.done $0x0  }
0x33: {  	s18 =	rddreg [dreg:$0x7];
	[sflag:s21] =	ssyncadd.s32 $0xFFFFD800  }
0x34: {  	[spmem:s18] =	stream.linear.scatter [tilespmem:s23], [sflag:$0x6], $0x2800, $0x38;
	[tilespmem:$0x1FD00] =	vst v63  }
0x35: {  	_ =	swait.ge [sflag:s21], $0x2800  }
0x36: {  	[sflag:s21] =	ssyncset.done $0x0  }
0x37: {  	s12 =	rddreg [dreg:$0x8];
	[sflag:s21] =	ssyncadd.s32 $0xFFFFD800  }
0x38: {  	[spmem:s12] =	stream.linear.scatter [tilespmem:s23], [sflag:$0x6], $0x2800, $0x38;
	[tilespmem:$0x1FD00] =	vst v63  }
0x39: {  	_ =	swait.ge [sflag:s21], $0x2800  }
0x3a: {  	[sflag:s21] =	ssyncset.done $0x0  }
0x3b: {  	s13 =	rddreg [dreg:$0x9];
	[sflag:s21] =	ssyncadd.s32 $0xFFFFD800  }
0x3c: {  	[spmem:s13] =	stream.linear.scatter [tilespmem:s23], [sflag:$0x6], $0x2800, $0x38;
	[tilespmem:$0x1FD00] =	vst v63  }
0x3d: {  	_ =	swait.ge [sflag:s21], $0x2800  }
0x3e: {  	[sflag:s21] =	ssyncset.done $0x0  }
0x3f: {  	[sflag:s21] =	ssyncadd.s32 $0xFFFFD800  }
0x40: {  	[spmem:s14] =	stream.linear.scatter [tilespmem:s23], [sflag:$0x6], $0x2800, $0x38;
	[tilespmem:$0x1FD00] =	vst v63  }
0x41: {  	_ =	swait.ge [sflag:s21], $0x2800  }
0x42: {  	[sflag:s21] =	ssyncset.done $0x0  }
0x43: {  	[sflag:s21] =	ssyncadd.s32 $0xFFFFD800  }
0x44: {  	[spmem:s15] =	stream.linear.scatter [tilespmem:s23], [sflag:$0x6], $0x2800, $0x38;
	[tilespmem:$0x1FD00] =	vst v63  }
0x45: {  	_ =	swait.ge [sflag:s21], $0x2800  }
0x46: {  	[sflag:s21] =	ssyncset.done $0x0  }
0x47: {  	[sflag:s21] =	ssyncadd.s32 $0xFFFFD800  }
0x48: {  	[spmem:s16] =	stream.linear.scatter [tilespmem:s23], [sflag:$0x6], $0x2800, $0x38;
	[tilespmem:$0x1FD00] =	vst v63  }
0x49: {  	_ =	swait.ge [sflag:s21], $0x2800  }
0x4a: {  	[sflag:s21] =	ssyncset.done $0x0  }
0x4b: {  	[sflag:s21] =	ssyncadd.s32 $0xFFFFD800  }
0x4c: {  	[spmem:s17] =	stream.linear.scatter [tilespmem:s23], [sflag:$0x6], $0x2800, $0x38;
	[tilespmem:$0x1FD00] =	vst v63  }
0x4d: {  	_ =	swait.ge [sflag:s21], $0x2800  }
0x4e: {  	[sflag:s21] =	ssyncset.done $0x0  }
0x4f: {  	[sflag:s21] =	ssyncadd.s32 $0xFFFFD800  }
0x50: {  	[tilespmem:$0x1FA00] =	vst v0  }
0x51: {  	[tilespmem:$0x1FA10] =	vst v0  }
0x52: {  	[tilespmem:$0x1FA20] =	vst v0  }
0x53: {  	[tilespmem:$0x1FA30] =	vst v0  }
0x54: {  	[tilespmem:$0x1FA40] =	vst v0  }
0x55: {  	[tilespmem:$0x1FA50] =	vst v0  }
0x56: {  	[tilespmem:$0x1FA60] =	vst v0  }
0x57: {  	[tilespmem:$0x1FA70] =	vst v0  }
0x58: {  	[tilespmem:$0x1FA80] =	vst v0  }
0x59: {  	[tilespmem:$0x1FA90] =	vst v0  }
0x5a: {  	[tilespmem:$0x1FAA0] =	vst v0  }
0x5b: {  	[tilespmem:$0x1FAB0] =	vst v0  }
0x5c: {  	[tilespmem:$0x1FAC0] =	vst v0  }
0x5d: {  	[tilespmem:$0x1FAD0] =	vst v0  }
0x5e: {  	[tilespmem:$0x1FAE0] =	vst v0  }
0x5f: {  	[tilespmem:$0x1FAF0] =	vst v0  }
0x60: {  	[tilespmem:$0x1FB00] =	vst v0  }
0x61: {  	[tilespmem:$0x1FB10] =	vst v0  }
0x62: {  	[tilespmem:$0x1FB20] =	vst v0  }
0x63: {  	[tilespmem:$0x1FB30] =	vst v0  }
0x64: {  	[tilespmem:$0x1FB40] =	vst v0  }
0x65: {  	[tilespmem:$0x1FB50] =	vst v0  }
0x66: {  	[tilespmem:$0x1FB60] =	vst v0  }
0x67: {  	[tilespmem:$0x1FB70] =	vst v0  }
0x68: {  	[tilespmem:$0x1FB80] =	vst v0  }
0x69: {  	[tilespmem:$0x1FB90] =	vst v0  }
0x6a: {  	[tilespmem:$0x1FBA0] =	vst v0  }
0x6b: {  	[tilespmem:$0x1FBB0] =	vst v0  }
0x6c: {  	[tilespmem:$0x1FBC0] =	vst v0  }
0x6d: {  	[tilespmem:$0x1FBD0] =	vst v0  }
0x6e: {  	[tilespmem:$0x1FBE0] =	vst v0  }
0x6f: {  	[tilespmem:$0x1FBF0] =	vst v0  }
0x70: {  	[tilespmem:$0x1FC00] =	vst v0  }
0x71: {  	[tilespmem:$0x1FC10] =	vst v0  }
0x72: {  	[tilespmem:$0x1FC20] =	vst v0  }
0x73: {  	[tilespmem:$0x1FC30] =	vst v0  }
0x74: {  	[tilespmem:$0x1FC40] =	vst v0  }
0x75: {  	[tilespmem:$0x1FC50] =	vst v0  }
0x76: {  	[tilespmem:$0x1FC60] =	vst v0  }
0x77: {  	[tilespmem:$0x1FC70] =	vst v0  }
0x78: {  	[tilespmem:$0x1FC80] =	vst v1  }
0x79: {  	[tilespmem:$0x1FC90] =	vst v1  }
0x7a: {  	[tilespmem:$0x1FCA0] =	vst v1  }
0x7b: {  	[tilespmem:$0x1FCB0] =	vst v1  }
0x7c: {  	[tilespmem:$0x1FCC0] =	vst v1  }
0x7d: {  	[spmem:s7] =	stream.linear.scatter [tilespmem:s25], [sflag:$0x6], $0x280, $0x38;
	[tilespmem:$0x1FD00] =	vst v63  }
0x7e: {  	_ =	swait.ge [sflag:s21], $0x280  }
0x7f: {  	[sflag:s21] =	ssyncset.done $0x0  }
0x80: {  	[sflag:s21] =	ssyncadd.s32 $0xFFFFFD80  }
0x81: {  	[bflag:$0x0] =	sbarrier.arrive $0xFFFF  }
0x82: {  	s18 =	simm.s32 $0x0;
	s12 =	rddreg [dreg:$0x5]  }
0x83: {  	[tilespmem:s26], [sflag:$0x6] =	stream.linear.gather [hbm4b:s12+s18], $0x3E80, $0x38;
	[tilespmem:$0x1FD00] =	vst v63  }
0x84: {  	_ =	swait.ge [sflag:s21], $0x3E80  }
0x85: {  	[sflag:s21] =	ssyncset.done $0x0  }
0x86: {  	[sflag:s21] =	ssyncadd.s32 $0xFFFFC180  }
0x87: {  	[tilespmem:s23], [sflag:$0x1] =	stream.indirect.gather [hbm4b:s5+s28], $0x80, s20, s28, $0xb8;
	[tilespmem:$0x1FD00] =	vst v63  }
0x88: {  	s13 =	simm.s32 $0x14050  }
0x89: {  	[tilespmem:s30], [sflag:$0x2] =	stream.indirect.gather [hbm4b:s5+s28], $0x80, s13, s28, $0xb8;
	[tilespmem:$0x1FD00] =	vst v63  }
0x8a: {  	_ =	swait.ge [sflag:s31], $0x2800  }
0x8b: {  	[sflag:s31] =	ssyncset.done $0x0  }
0x8c: {  	[sflag:s31] =	ssyncadd.s32 $0xFFFFD800  }
0x8d: {  	[spmem:s2] =	stream.indirect.scatter.add.f32 [tilespmem:s23], [sflag:$0x3], $0x80, s26, s28, $0xb8;
	[tilespmem:$0x1FD00] =	vst v63  }
0x8e: {  	_ = 	snop  }
0x8f: {  	[spmem:s3] =	stream.indirect.scatter.add.f32 [tilespmem:s1], [sflag:$0x5], $0x1, s26, s28, $0xb8;
	[tilespmem:$0x1FD00] =	vst v63  }
0x90: {  	_ =	swait.ge [sflag:s4], $0x2800  }
0x91: {  	[sflag:s4] =	ssyncset.done $0x0  }
0x92: {  	s18 =	simm.s32 $0x140A0;
	[sflag:s4] =	ssyncadd.s32 $0xFFFFD800  }
0x93: {  	[tilespmem:s23], [sflag:$0x1] =	stream.indirect.gather [hbm4b:s5+s28], $0x80, s18, s28, $0xb8;
	[tilespmem:$0x1FD00] =	vst v63  }
0x94: {  	_ =	swait.ge [sflag:s29], $0x2800  }
0x95: {  	[sflag:s29] =	ssyncset.done $0x0  }
0x96: {  	[sflag:s29] =	ssyncadd.s32 $0xFFFFD800  }
0x97: {  	[spmem:s2] =	stream.indirect.scatter.add.f32 [tilespmem:s30], [sflag:$0x4], $0x80, s0, s28, $0xb8;
	[tilespmem:$0x1FD00] =	vst v63  }
0x98: {  	_ = 	snop  }
0x99: {  	[spmem:s3] =	stream.indirect.scatter.add.f32 [tilespmem:s1], [sflag:$0x5], $0x1, s0, s28, $0xb8;
	[tilespmem:$0x1FD00] =	vst v63  }
0x9a: {  	_ =	swait.ge [sflag:s19], $0x2800  }
0x9b: {  	[sflag:s19] =	ssyncset.done $0x0  }
0x9c: {  	s12 =	simm.s32 $0x140F0;
	[sflag:s19] =	ssyncadd.s32 $0xFFFFD800  }
0x9d: {  	[tilespmem:s30], [sflag:$0x2] =	stream.indirect.gather [hbm4b:s5+s28], $0x80, s12, s28, $0xb8;
	[tilespmem:$0x1FD00] =	vst v63  }
0x9e: {  	_ =	swait.ge [sflag:s31], $0x2800  }
0x9f: {  	[sflag:s31] =	ssyncset.done $0x0  }
0xa0: {  	s13 =	simm.s32 $0x16880;
	[sflag:s31] =	ssyncadd.s32 $0xFFFFD800  }
0xa1: {  	[spmem:s2] =	stream.indirect.scatter.add.f32 [tilespmem:s23], [sflag:$0x3], $0x80, s13, s28, $0xb8;
	[tilespmem:$0x1FD00] =	vst v63  }
0xa2: {  	_ = 	snop  }
0xa3: {  	[spmem:s3] =	stream.indirect.scatter.add.f32 [tilespmem:s1], [sflag:$0x5], $0x1, s13, s28, $0xb8;
	[tilespmem:$0x1FD00] =	vst v63  }
0xa4: {  	_ =	swait.ge [sflag:s4], $0x2800  }
0xa5: {  	[sflag:s4] =	ssyncset.done $0x0  }
0xa6: {  	s18 =	simm.s32 $0x14140;
	[sflag:s4] =	ssyncadd.s32 $0xFFFFD800  }
0xa7: {  	[tilespmem:s23], [sflag:$0x1] =	stream.indirect.gather [hbm4b:s5+s28], $0x80, s18, s28, $0xb8;
	[tilespmem:$0x1FD00] =	vst v63  }
0xa8: {  	_ =	swait.ge [sflag:s29], $0x2800  }
0xa9: {  	s11 =	simm.s32 $0xFFFF6A00;
	[sflag:s29] =	ssyncset.done $0x0  }
0xaa: {  	s12 =	simm.s32 $0x16980;
	s13 =	simm.s32 $0x16900;
	[sflag:s29] =	ssyncadd.s32 $0xFFFFD800  }
0xab: {  	[spmem:s2] =	stream.indirect.scatter.add.f32 [tilespmem:s30], [sflag:$0x4], $0x80, s13, s28, $0xb8;
	[tilespmem:$0x1FD00] =	vst v63  }
.LBB2_4:
0xac: {  	[spmem:s3] =	stream.indirect.scatter.add.f32 [tilespmem:s1], [sflag:$0x5], $0x1, s13, s28, $0xb8;
	[tilespmem:$0x1FD00] =	vst v63  }
0xad: {  	s13 =	smov.u32 s11  }
0xae: {  	p0 =	sne.s32 s11, $0xFFFFFD80;
	s11 =	sadd.s32 $0x280, s11;
	_ =	swait.ge [sflag:s19], $0x2800  }
0xaf: {  	s13 =	sshra.s32 s13, $0x2;
	[sflag:s19] =	ssyncset.done $0x0  }
0xb0: {  	s18 =	sadd.s32 $0x16710, s13;
	[sflag:s19] =	ssyncadd.s32 $0xFFFFD800  }
0xb1: {  	[tilespmem:s30], [sflag:$0x2] =	stream.indirect.gather [hbm4b:s5+s28], $0x80, s18, s28, $0xb8;
	[tilespmem:$0x1FD00] =	vst v63  }
0xb2: {  	_ =	swait.ge [sflag:s31], $0x2800  }
0xb3: {  	[sflag:s31] =	ssyncset.done $0x0  }
0xb4: {  	[sflag:s31] =	ssyncadd.s32 $0xFFFFD800  }
0xb5: {  	[spmem:s2] =	stream.indirect.scatter.add.f32 [tilespmem:s23], [sflag:$0x3], $0x80, s12, s28, $0xb8;
	[tilespmem:$0x1FD00] =	vst v63  }
0xb6: {  	_ = 	snop  }
0xb7: {  	[spmem:s3] =	stream.indirect.scatter.add.f32 [tilespmem:s1], [sflag:$0x5], $0x1, s12, s28, $0xb8;
	[tilespmem:$0x1FD00] =	vst v63  }
0xb8: {  	_ =	swait.ge [sflag:s4], $0x2800  }
0xb9: {  	[sflag:s4] =	ssyncset.done $0x0  }
0xba: {  	s13 =	sadd.s32 $0x16760, s13;
	[sflag:s4] =	ssyncadd.s32 $0xFFFFD800  }
0xbb: {  	[tilespmem:s23], [sflag:$0x1] =	stream.indirect.gather [hbm4b:s5+s28], $0x80, s13, s28, $0xb8;
	[tilespmem:$0x1FD00] =	vst v63  }
.Ltmp1:
0xbc: {  	_ =	swait.ge [sflag:s29], $0x2800;
	(pc) =	sbr.rel @p0 .LBB2_4-.Ltmp1, $4  }
0xbd: {  	[sflag:s29] =	ssyncset.done $0x0  }
0xbe: {  	s13 =	sadd.s32 $0x80, s12;
	[sflag:s29] =	ssyncadd.s32 $0xFFFFD800  }
0xbf: {  	[spmem:s2] =	stream.indirect.scatter.add.f32 [tilespmem:s30], [sflag:$0x4], $0x80, s13, s28, $0xb8;
	[tilespmem:$0x1FD00] =	vst v63  }
0xc0: {  	s12 =	sadd.s32 $0x100, s12  }
0xc1: {  	[spmem:s3] =	stream.indirect.scatter.add.f32 [tilespmem:s1], [sflag:$0x5], $0x1, s13, s28, $0xb8;
	[tilespmem:$0x1FD00] =	vst v63  }
0xc2: {  	_ =	swait.ge [sflag:s31], $0x2800  }
0xc3: {  	[sflag:s31] =	ssyncset.done $0x0  }
0xc4: {  	[sflag:s31] =	ssyncadd.s32 $0xFFFFD800  }
0xc5: {  	[spmem:s2] =	stream.indirect.scatter.add.f32 [tilespmem:s23], [sflag:$0x3], $0x80, s6, s28, $0xb8;
	[tilespmem:$0x1FD00] =	vst v63  }
0xc6: {  	_ = 	snop  }
0xc7: {  	[spmem:s3] =	stream.indirect.scatter.add.f32 [tilespmem:s1], [sflag:$0x5], $0x1, s6, s28, $0xb8;
	[tilespmem:$0x1FD00] =	vst v63  }
0xc8: {  	_ =	swait.ge [sflag:s4], $0x2800  }
0xc9: {  	[sflag:s4] =	ssyncset.done $0x0  }
0xca: {  	[sflag:s4] =	ssyncadd.s32 $0xFFFFD800  }
0xcb: {  	_ =	swait.ge [sflag:s19], $0x2800  }
0xcc: {  	[sflag:s19] =	ssyncset.done $0x0  }
0xcd: {  	[sflag:s19] =	ssyncadd.s32 $0xFFFFD800  }
0xce: {  	_ =	swait.ge [sflag:s8], $0x50  }
0xcf: {  	s11 =	simm.s32 $0x7C;
	[sflag:s8] =	ssyncset.done $0x0  }
.LBB2_6:
0xd0: {  	p0 =	sne.s32 s11, $0x1;
	s11 =	sadd.s32 $0xFFFFFFFF, s11;
	[sflag:s8] =	ssyncadd.s32 $0xFFFFFFB0  }
.Ltmp2:
0xd1: {  	(pc) =	sbr.rel @p0 .LBB2_6-.Ltmp2, $3  }
0xd2: {  	_ =	sdelay $0x1  }
0xd3: {  	_ =	swait.ge [sflag:s8], $0x50  }
0xd4: {  	[sflag:s8] =	ssyncset.done $0x0  }
0xd5: {  	s11 =	stileid.u32  }
0xd6: {  	[sflag:s8] =	ssyncadd.s32 $0xFFFFFFB0;
	s11 =	sshll.u32 s11, $0x6  }
0xd7: {  	s12 =	sshrl.u32 s9, $0x3;
	[bflag:$0x0] =	sbarrier.arrive $0xFFFF;
	s11 =	sor.u32 $0x1C06, s11  }
0xd8: {  	[hbm:s22], [sflag:s11] =	dma.local [spmem:s12], $0x2800  }
0xd9: {  	_ =	swait.ge [sflag:s21], $0x2800  }
0xda: {  	[sflag:s21] =	ssyncset.done $0x0  }
0xdb: {  	[sflag:s21] =	ssyncadd.s32 $0xFFFFD800  }
0xdc: {  	[tilespmem:s25], [sflag:$0x6] =	stream.linear.gather [spmem:s7], $0x280, $0x38;
	[tilespmem:$0x1FD00] =	vst v63  }
0xdd: {  	_ =	swait.ge [sflag:s21], $0x280  }
0xde: {  	[sflag:s21] =	ssyncset.done $0x0  }
0xdf: {  	s13 =	simm.s32 $0x100;
	s12 =	simm.s32 $0x80;
	[sflag:s21] =	ssyncadd.s32 $0xFFFFFD80  }
0xe0: {  	[hbm4b:s24+s12] =	stream.strided.scatter [tilespmem:s25], [sflag:$0x6], $0x280, s13, s12, $0x38;
	[tilespmem:$0x1FD00] =	vst v63  }
0xe1: {  	_ =	swait.ge [sflag:s21], $0x280  }
0xe2: {  	s10 =	sadd.s32 $0x1, s10;
	s18 =	rddreg [dreg:$0x6]  }
0xe3: {  	p0 =	sne.s32 s10, s18  }
.Ltmp3:
0xe4: {  	_ = 	snop;
	(pc) =	sbr.rel @p0 .LBB2_1-.Ltmp3, $3  }
0xe5: {  	_ =	sdelay $0x1  }
0xe6: {  	[sflag:s21] =	ssyncset.done $0x0  }
0xe7: {  	[sflag:s21] =	ssyncadd.s32 $0xFFFFFD80  }
0xe8: {  	_ =	sfence.sel $0x180000  }
0xe9: {  	[bflag:$0x0] =	sbarrier.arrive $0xFFFF  }
0xea: {  	_ =	strace $0x90000047  }
0xeb: {  	s0 =	stileid.u32;
	[bflag:$0x2] =	sbarrier.arrive $0xFFFF  }
0xec: {  	p0 =	sne.s32 s0, $0x0;
	s0 =	rddreg [dreg:$0x3]  }
0xed: {  	s0 =	sadd.s32 @!p0 $0x100000, s0  }
0xee: {  	[sflag:s0] =	ssyncadd.tile.s32 @!p0 $0x1;
	_ =	shalt  }
.Lfunc_end2:
_tile_overlayer_lowered:
.L_overlay_start_2:
0xef: {  	(tag) =	ssettag $0x2  }
0xf0: {  	s0 =	rddreg [dreg:$0x0];
	s2 =	stileid.u32  }
0xf1: {  	s1 =	rddreg [dreg:$0x1];
	p0 =	sne.s32 s2, $0x0  }
0xf2: {  	s3 =	rddreg [dreg:$0x2];
	[bflag:$0x3] =	sbarrier.arrive $0xFFFF;
	s2 =	simm.s32 @!p0 $0x1C06  }
0xf3: {  	[timem:s3], [sflag:s2] =	dma.local @!p0 [hbm:s0], s1  }
0xf4: {  	s0 =	simm.s32 @!p0 $0x6  }
0xf5: {  	_ =	swait.ge @!p0 [sflag:s0], s1  }
0xf6: {  	s1 =	ssub.s32 @!p0 $0x0, s1;
	[sflag:s0] =	ssyncset.done @!p0 $0x0  }
0xf7: {  	[sflag:s0] =	ssyncadd.s32 @!p0 s1  }
0xf8: {  	[bflag:$0x3] =	sbarrier.arrive $0xFFFF  }
0xf9: {  	_ =	shalt  }

</sc_bundles>
